<compile_context>
chip_gen: v7x
topology: tpu7x:2x2x1
jax: 0.10.2.dev20260603
libtpu: 0.0.44.dev20260713+nightly
codegen_flags: <defaults>
</compile_context>

<pallas_src>
import functools
import math

import jax
import jax.numpy as jnp
import numpy as np
from jax import lax
from jax.experimental import pallas as pl
from jax.experimental.pallas import tpu as pltpu
from jax.experimental.pallas import tpu_sc as plsc

B, L, D = 16, 2048, 128
V = 100000
K = 30
KP = 32
D_OUT = D + (K * (K + 1)) // 2
LANES = 16
NCHUNK = L // LANES
GATHER_ROWS = 8
GATHER_W = L // GATHER_ROWS

_IU_I, _IU_J = np.triu_indices(K)


def _sc_body(nrows, ids_hbm, pm_hbm, tw_hbm, t2c_hbm, w_out, seg_out,
             idsf, pmf, twgf, clgf, table, wf, segf, sem_tw, sem_cl):
  wid = lax.axis_index("s") * 2 + lax.axis_index("c")

  @pl.when(wid < nrows)
  def _():
    b = wid
    pltpu.sync_copy(ids_hbm.at[b], idsf)
    pltpu.sync_copy(pm_hbm.at[b], pmf)

    copies = []
    for j in range(GATHER_ROWS):
      sl = pl.ds(j * GATHER_W, GATHER_W)
      copies.append(pltpu.async_copy(
          tw_hbm.at[idsf.at[sl]], twgf.at[sl], sem_tw))
      copies.append(pltpu.async_copy(
          t2c_hbm.at[idsf.at[sl]], clgf.at[sl], sem_cl))

    lane = lax.iota(jnp.int32, LANES)

    def scatter_body(c, _):
      sl = pl.ds(c * LANES, LANES)
      id16 = idsf[sl]
      valid = pmf[sl] != 0
      pos16 = c * LANES + lane
      _, lastm = plsc.scan_count(id16, mask=valid)
      plsc.store_scatter(table, [id16], pos16, mask=lastm & valid)
      return 0

    lax.fori_loop(0, NCHUNK, scatter_body, 0, unroll=4)

    for cp in copies:
      cp.wait()

    def check_body(c, _):
      sl = pl.ds(c * LANES, LANES)
      id16 = idsf[sl]
      valid = pmf[sl] != 0
      pos16 = c * LANES + lane
      lastpos = plsc.load_gather(table, [id16])
      is_last = valid & (lastpos == pos16)
      wf[sl] = jnp.where(is_last, twgf[sl], 0.0)
      segf[sl] = jnp.where(is_last, clgf[sl], K)
      return 0

    lax.fori_loop(0, NCHUNK, check_body, 0, unroll=4)

    pltpu.sync_copy(wf, w_out.at[b])
    pltpu.sync_copy(segf, seg_out.at[b])


def _sc_tokens(input_ids, padding_mask, token_weights, token_to_cluster):
  nrows = input_ids.shape[0]
  return pl.kernel(
      functools.partial(_sc_body, nrows),
      out_type=(
          jax.ShapeDtypeStruct((nrows, L), jnp.float32),
          jax.ShapeDtypeStruct((nrows, L), jnp.int32),
      ),
      mesh=plsc.VectorSubcoreMesh(core_axis_name="c", subcore_axis_name="s"),
      compiler_params=pltpu.CompilerParams(needs_layout_passes=False),
      scratch_types=[
          pltpu.VMEM((L,), jnp.int32),
          pltpu.VMEM((L,), jnp.int32),
          pltpu.VMEM((L,), jnp.float32),
          pltpu.VMEM((L,), jnp.int32),
          pltpu.VMEM((V,), jnp.int32),
          pltpu.VMEM((L,), jnp.float32),
          pltpu.VMEM((L,), jnp.int32),
          pltpu.SemaphoreType.DMA,
          pltpu.SemaphoreType.DMA,
      ],
  )(input_ids, padding_mask, token_weights, token_to_cluster)


NT = (K * (K + 1)) // 2

_RI = np.zeros((NT, KP), np.float32)
_RI[np.arange(NT), _IU_I] = np.where(_IU_I == _IU_J, 1.0, math.sqrt(2.0))
_RJ = np.zeros((NT, KP), np.float32)
_RJ[np.arange(NT), _IU_J] = 1.0


NB = 2


def _tc_one_batch(seq, w, seg, cent_ref, ri_ref, rj_ref, svd_ref):
  kidx = lax.broadcasted_iota(jnp.int32, (KP, L), 0)
  oh = seg == kidx
  ohw = jnp.where(oh, w, 0.0)
  m = (seg < K).astype(jnp.float32)
  ohm = jnp.where(oh, m, 0.0)
  sums = jnp.dot(ohw, seq, preferred_element_type=jnp.float32)
  counts = jnp.sum(ohm, axis=1, keepdims=True)
  n_unique = jnp.maximum(jnp.sum(counts), 1.0)
  vec1 = jnp.sum(sums, axis=0, keepdims=True) / n_unique
  cent = jnp.concatenate(
      [cent_ref[...], jnp.zeros((KP - K, D), jnp.float32)], axis=0)
  matrix = sums - counts * cent
  mnm = matrix - jnp.mean(matrix, axis=1, keepdims=True)
  e1 = lax.dot_general(mnm, ri_ref[...], (((0,), (1,)), ((), ())),
                       preferred_element_type=jnp.float32)
  e2 = lax.dot_general(mnm, rj_ref[...], (((0,), (1,)), ((), ())),
                       preferred_element_type=jnp.float32)
  v2 = jnp.sum(e1 * e2, axis=0, keepdims=True)
  inv = lax.rsqrt(jnp.sum(v2 * v2))
  e = jnp.concatenate([vec1, v2 * inv], axis=1)
  s = svd_ref[...]
  dd = jnp.sum(e * s)
  return e - dd * s


def _tc_body(seq_ref, w_ref, seg_ref, cent_ref, ri_ref, rj_ref, svd_ref,
             out_ref):
  i = pl.program_id(0)
  for r in range(NB):
    b = i * NB + r
    res = _tc_one_batch(seq_ref[r], w_ref[pl.ds(b, 1), :],
                        seg_ref[pl.ds(b, 1), :],
                        cent_ref, ri_ref, rj_ref, svd_ref)
    out_ref[pl.ds(b, 1), :] = res


def _tc_pool(seq, w2d, seg2d, cent32, ri, rj, svd):
  nrows = w2d.shape[0]
  return pl.pallas_call(
      _tc_body,
      grid=(nrows // NB,),
      in_specs=[
          pl.BlockSpec((NB, L, D), lambda i: (i, 0, 0)),
          pl.BlockSpec((nrows, L), lambda i: (0, 0)),
          pl.BlockSpec((nrows, L), lambda i: (0, 0)),
          pl.BlockSpec((K, D), lambda i: (0, 0)),
          pl.BlockSpec((NT, KP), lambda i: (0, 0)),
          pl.BlockSpec((NT, KP), lambda i: (0, 0)),
          pl.BlockSpec((1, D_OUT), lambda i: (0, 0)),
      ],
      out_specs=pl.BlockSpec((nrows, D_OUT), lambda i: (0, 0)),
      out_shape=jax.ShapeDtypeStruct((nrows, D_OUT), jnp.float32),
  )(seq, w2d, seg2d, cent32, ri, rj, svd)


def kernel(sequence_output, input_ids, padding_mask, token_weights,
           centroids, token_to_cluster, svd_components):
  w2d, seg2d = _sc_tokens(input_ids, padding_mask, token_weights,
                          token_to_cluster)
  return _tc_pool(sequence_output, w2d, seg2d, centroids,
                  jnp.asarray(_RI), jnp.asarray(_RJ), svd_components)

# --- scband reference (transcript-rebuilt; emitter-appended) ---
"""Pipeline reference for scband-s3-epooling-88656714925533 (READ-ONLY COPY).

The authoritative reference and input builder live on the scoring server;
editing this copy changes nothing except your own understanding.
"""

import jax, jax.numpy as jnp
import numpy as np

B, L, D = 16, 2048, 128
V = 100000
K = 30
D_OUT = D + (K * (K + 1)) // 2


def setup_inputs(seed: int = 0) -> dict:
    key = jax.random.key(seed)
    ks = jax.random.split(key, 7)
    sequence_output = jax.random.normal(ks[0], (B, L, D), dtype=jnp.float32)
    input_ids = jax.random.randint(ks[1], (B, L), 0, V).astype(jnp.int32)
    padding_mask = jax.random.randint(ks[2], (B, L), 0, 2).astype(jnp.int32)
    token_weights = jax.random.uniform(ks[3], (V,), dtype=jnp.float32, minval=0.01, maxval=1.0)
    centroids = jax.random.normal(ks[4], (K, D), dtype=jnp.float32)
    token_to_cluster = jax.random.randint(ks[5], (V,), 0, K).astype(jnp.int32)
    svd_components = jax.random.normal(ks[6], (1, D_OUT), dtype=jnp.float32)
    svd_components = svd_components / jnp.linalg.norm(svd_components)
    return {
        'sequence_output': sequence_output,
        'input_ids': input_ids,
        'padding_mask': padding_mask,
        'token_weights': token_weights,
        'centroids': centroids,
        'token_to_cluster': token_to_cluster,
        'svd_components': svd_components,
    }


def reference(sequence_output, input_ids, padding_mask, token_weights, centroids, token_to_cluster, svd_components):
    Bs, Ls, Ds = sequence_output.shape
    Kc = centroids.shape[0]
    Vv = token_weights.shape[0]
    dt = sequence_output.dtype

    valid = padding_mask != 0
    pos = jnp.arange(Ls, dtype=jnp.int32)
    ids_safe = jnp.clip(input_ids, 0, Vv - 1).astype(jnp.int32)
    # invalid tokens routed to dump bucket Vv
    idc = jnp.where(valid, ids_safe, jnp.int32(Vv))

    # dict-insertion semantics of original: for duplicate token ids the LAST
    # occurrence's vector wins; each unique token contributes exactly once.
    def _last_mask(idc_s, ids_s, valid_s):
        last_pos = jnp.full((Vv + 1,), -1, dtype=jnp.int32).at[idc_s].max(pos)
        return valid_s & (last_pos[ids_s] == pos)

    is_last = jax.vmap(_last_mask)(idc, ids_safe, valid)  # [B, L]
    m = is_last.astype(dt)
    w = token_weights[ids_safe] * m  # weight of each surviving (unique, last-occ) token

    # stage 0 sentence vector: mean over unique tokens of weighted vectors
    n_unique = jnp.maximum(jnp.sum(m, axis=1), 1.0)
    vec1 = jnp.sum(sequence_output * w[:, :, None], axis=1) / n_unique[:, None]

    # stage 1: cluster-wise sum of (w*v - centroid) via segment_sum
    cl = token_to_cluster[ids_safe]
    seg = jnp.where(is_last, cl, jnp.int32(Kc))  # non-survivors -> dump bucket

    iu_i, iu_j = jnp.triu_indices(Kc)
    offdiag = jnp.where(iu_i == iu_j, 1.0, jnp.sqrt(2.0)).astype(dt)

    def _per_sample(seq_s, seg_s, w_s, m_s):
        sums = jax.ops.segment_sum(seq_s * w_s[:, None], seg_s, num_segments=Kc + 1)[:Kc]
        counts = jax.ops.segment_sum(m_s, seg_s, num_segments=Kc + 1)[:Kc]
        matrix = sums - counts[:, None] * centroids  # empty clusters stay zero rows
        mnm = matrix - jnp.mean(matrix, axis=1, keepdims=True)
        cov = mnm @ mnm.T
        vec = cov[iu_i, iu_j] * offdiag
        return vec / jnp.linalg.norm(vec)

    vec2 = jax.vmap(_per_sample)(sequence_output, seg, w, m)

    embeddings = jnp.concatenate([vec1, vec2], axis=1)  # [B, D + K(K+1)/2]
    # remove top SVD component (svd_components has 1 row, matching broadcast in original)
    embeddings = embeddings - (embeddings @ svd_components.T) * svd_components
    return embeddings

if __name__ == "__main__":
    import jax
    _d = setup_inputs()
    print(jax.jit(kernel)(*tuple(_d.values())))

</pallas_src>

<mosaic_0001>
#map = affine_map<(d0, d1) -> (0, 0)>
#map1 = affine_map<(d0, d1) -> (0)>
module attributes {stable_mosaic.version = 14 : i64} {
  func.func @_sc_body(%arg0: i32, %arg1: i32, %arg2: memref<16x2048xi32, #tpu.memory_space<hbm>>, %arg3: memref<16x2048xi32, #tpu.memory_space<hbm>>, %arg4: memref<100000xf32, #tpu.memory_space<hbm>>, %arg5: memref<100000xi32, #tpu.memory_space<hbm>>, %arg6: memref<16x2048xf32, #tpu.memory_space<hbm>>, %arg7: memref<16x2048xi32, #tpu.memory_space<hbm>>, %arg8: memref<2048xi32, #tpu.memory_space<vmem>>, %arg9: memref<2048xi32, #tpu.memory_space<vmem>>, %arg10: memref<2048xf32, #tpu.memory_space<vmem>>, %arg11: memref<2048xi32, #tpu.memory_space<vmem>>, %arg12: memref<100000xi32, #tpu.memory_space<vmem>>, %arg13: memref<2048xf32, #tpu.memory_space<vmem>>, %arg14: memref<2048xi32, #tpu.memory_space<vmem>>, %arg15: memref<!tpu.dma_semaphore, #tpu.memory_space<semaphore_mem>>, %arg16: memref<!tpu.dma_semaphore, #tpu.memory_space<semaphore_mem>>) attributes {dimension_semantics = [#tpu.dimension_semantics<core_parallel>, #tpu.dimension_semantics<subcore_parallel>], iteration_bounds = array<i64: 2, 16>, scalar_prefetch = 0 : i64, scratch_operands = 9 : i64, tpu.core_type = #tpu.core_type<sc_vector_subcore>, window_params = [{transform_indices = #map}, {transform_indices = #map}, {transform_indices = #map1}, {transform_indices = #map1}, {transform_indices = #map}, {transform_indices = #map}]} {
    %mul3A = arith.constant 2 : i32
    %mul3A_0 = arith.muli %arg1, %mul3A : i32
    %add3A = arith.addi %mul3A_0, %arg0 : i32
    %lt3A = arith.constant 16 : i32
    %lt3A_1 = arith.cmpi slt, %add3A, %lt3A : i32
    %convert_element_type3A = arith.extui %lt3A_1 : i1 to i32
    %cond3A = arith.constant 0 : i32
    %cond3A_2 = arith.cmpi ne, %convert_element_type3A, %cond3A : i32
    scf.if %cond3A_2 {
      "tpu.region"() ({
        %run_scoped3A = tpu.sem_alloc : memref<!tpu.dma_semaphore, #tpu.memory_space<semaphore_mem>>
        %dma_start3A_206 = arith.constant 0 : i32
        %dma_start3A_207 = tpu.memref_slice %arg2[%add3A, %dma_start3A_206] : memref<16x2048xi32, #tpu.memory_space<hbm>> -> memref<1x2048xi32, #tpu.memory_space<hbm>>
        %dma_start3A_208 = tpu.memref_squeeze %dma_start3A_207 : memref<1x2048xi32, #tpu.memory_space<hbm>> -> memref<2048xi32, #tpu.memory_space<hbm>>
        %dma_start3A_209 = arith.constant 0 : i32
        %dma_start3A_210 = tpu.memref_slice %arg2[%add3A, %dma_start3A_209] : memref<16x2048xi32, #tpu.memory_space<hbm>> -> memref<1x2048xi32, #tpu.memory_space<hbm>>
        %dma_start3A_211 = tpu.memref_squeeze %dma_start3A_210 : memref<1x2048xi32, #tpu.memory_space<hbm>> -> memref<2048xi32, #tpu.memory_space<hbm>>
        tpu.enqueue_dma source(%dma_start3A_211 : memref<2048xi32, #tpu.memory_space<hbm>>) target(%arg8 : memref<2048xi32, #tpu.memory_space<vmem>>) target_semaphore(%run_scoped3A : memref<!tpu.dma_semaphore, #tpu.memory_space<semaphore_mem>>)
        %dma_wait3A_212 = arith.constant 0 : i32
        %dma_wait3A_213 = tpu.memref_slice %arg2[%add3A, %dma_wait3A_212] : memref<16x2048xi32, #tpu.memory_space<hbm>> -> memref<1x2048xi32, #tpu.memory_space<hbm>>
        %dma_wait3A_214 = tpu.memref_squeeze %dma_wait3A_213 : memref<1x2048xi32, #tpu.memory_space<hbm>> -> memref<2048xi32, #tpu.memory_space<hbm>>
        %dma_wait3A_215 = arith.constant 0 : i32
        %dma_wait3A_216 = tpu.memref_slice %arg2[%add3A, %dma_wait3A_215] : memref<16x2048xi32, #tpu.memory_space<hbm>> -> memref<1x2048xi32, #tpu.memory_space<hbm>>
        %dma_wait3A_217 = tpu.memref_squeeze %dma_wait3A_216 : memref<1x2048xi32, #tpu.memory_space<hbm>> -> memref<2048xi32, #tpu.memory_space<hbm>>
        tpu.wait_dma2 semaphore(%run_scoped3A : memref<!tpu.dma_semaphore, #tpu.memory_space<semaphore_mem>>) src(%dma_wait3A_217 : memref<2048xi32, #tpu.memory_space<hbm>>) dst(%arg8 : memref<2048xi32, #tpu.memory_space<vmem>>)
        tpu.yield
      }) : () -> ()
      "tpu.region"() ({
        %run_scoped3A = tpu.sem_alloc : memref<!tpu.dma_semaphore, #tpu.memory_space<semaphore_mem>>
        %dma_start3A_206 = arith.constant 0 : i32
        %dma_start3A_207 = tpu.memref_slice %arg3[%add3A, %dma_start3A_206] : memref<16x2048xi32, #tpu.memory_space<hbm>> -> memref<1x2048xi32, #tpu.memory_space<hbm>>
        %dma_start3A_208 = tpu.memref_squeeze %dma_start3A_207 : memref<1x2048xi32, #tpu.memory_space<hbm>> -> memref<2048xi32, #tpu.memory_space<hbm>>
        %dma_start3A_209 = arith.constant 0 : i32
        %dma_start3A_210 = tpu.memref_slice %arg3[%add3A, %dma_start3A_209] : memref<16x2048xi32, #tpu.memory_space<hbm>> -> memref<1x2048xi32, #tpu.memory_space<hbm>>
        %dma_start3A_211 = tpu.memref_squeeze %dma_start3A_210 : memref<1x2048xi32, #tpu.memory_space<hbm>> -> memref<2048xi32, #tpu.memory_space<hbm>>
        tpu.enqueue_dma source(%dma_start3A_211 : memref<2048xi32, #tpu.memory_space<hbm>>) target(%arg9 : memref<2048xi32, #tpu.memory_space<vmem>>) target_semaphore(%run_scoped3A : memref<!tpu.dma_semaphore, #tpu.memory_space<semaphore_mem>>)
        %dma_wait3A_212 = arith.constant 0 : i32
        %dma_wait3A_213 = tpu.memref_slice %arg3[%add3A, %dma_wait3A_212] : memref<16x2048xi32, #tpu.memory_space<hbm>> -> memref<1x2048xi32, #tpu.memory_space<hbm>>
        %dma_wait3A_214 = tpu.memref_squeeze %dma_wait3A_213 : memref<1x2048xi32, #tpu.memory_space<hbm>> -> memref<2048xi32, #tpu.memory_space<hbm>>
        %dma_wait3A_215 = arith.constant 0 : i32
        %dma_wait3A_216 = tpu.memref_slice %arg3[%add3A, %dma_wait3A_215] : memref<16x2048xi32, #tpu.memory_space<hbm>> -> memref<1x2048xi32, #tpu.memory_space<hbm>>
        %dma_wait3A_217 = tpu.memref_squeeze %dma_wait3A_216 : memref<1x2048xi32, #tpu.memory_space<hbm>> -> memref<2048xi32, #tpu.memory_space<hbm>>
        tpu.wait_dma2 semaphore(%run_scoped3A : memref<!tpu.dma_semaphore, #tpu.memory_space<semaphore_mem>>) src(%dma_wait3A_217 : memref<2048xi32, #tpu.memory_space<hbm>>) dst(%arg9 : memref<2048xi32, #tpu.memory_space<vmem>>)
        tpu.yield
      }) : () -> ()
      %dma_start3A = arith.constant 0 : i32
      %dma_start3A_3 = tpu.memref_slice %arg10[%dma_start3A] : memref<2048xf32, #tpu.memory_space<vmem>> -> memref<256xf32, #tpu.memory_space<vmem>>
      %dma_start3A_4 = arith.constant 0 : i32
      %dma_start3A_5 = tpu.memref_slice %arg8[%dma_start3A_4] : memref<2048xi32, #tpu.memory_space<vmem>> -> memref<256xi32, #tpu.memory_space<vmem>>
      %dma_start3A_6 = arith.constant 0 : i32
      %dma_start3A_7 = tpu.memref_slice %arg4[%dma_start3A_6] : memref<100000xf32, #tpu.memory_space<hbm>> -> memref<100000xf32, #tpu.memory_space<hbm>>
      tpu.enqueue_indirect_dma source(%dma_start3A_7 : memref<100000xf32, #tpu.memory_space<hbm>>) target(%dma_start3A_3 : memref<256xf32, #tpu.memory_space<vmem>>) offsets(%dma_start3A_5 : memref<256xi32, #tpu.memory_space<vmem>>) semaphore(%arg15 : memref<!tpu.dma_semaphore, #tpu.memory_space<semaphore_mem>>)
      %dma_start3A_8 = arith.constant 0 : i32
      %dma_start3A_9 = tpu.memref_slice %arg11[%dma_start3A_8] : memref<2048xi32, #tpu.memory_space<vmem>> -> memref<256xi32, #tpu.memory_space<vmem>>
      %dma_start3A_10 = arith.constant 0 : i32
      %dma_start3A_11 = tpu.memref_slice %arg8[%dma_start3A_10] : memref<2048xi32, #tpu.memory_space<vmem>> -> memref<256xi32, #tpu.memory_space<vmem>>
      %dma_start3A_12 = arith.constant 0 : i32
      %dma_start3A_13 = tpu.memref_slice %arg5[%dma_start3A_12] : memref<100000xi32, #tpu.memory_space<hbm>> -> memref<100000xi32, #tpu.memory_space<hbm>>
      tpu.enqueue_indirect_dma source(%dma_start3A_13 : memref<100000xi32, #tpu.memory_space<hbm>>) target(%dma_start3A_9 : memref<256xi32, #tpu.memory_space<vmem>>) offsets(%dma_start3A_11 : memref<256xi32, #tpu.memory_space<vmem>>) semaphore(%arg16 : memref<!tpu.dma_semaphore, #tpu.memory_space<semaphore_mem>>)
      %dma_start3A_14 = arith.constant 256 : i32
      %dma_start3A_15 = tpu.memref_slice %arg10[%dma_start3A_14] : memref<2048xf32, #tpu.memory_space<vmem>> -> memref<256xf32, #tpu.memory_space<vmem>>
      %dma_start3A_16 = arith.constant 256 : i32
      %dma_start3A_17 = tpu.memref_slice %arg8[%dma_start3A_16] : memref<2048xi32, #tpu.memory_space<vmem>> -> memref<256xi32, #tpu.memory_space<vmem>>
      %dma_start3A_18 = arith.constant 0 : i32
      %dma_start3A_19 = tpu.memref_slice %arg4[%dma_start3A_18] : memref<100000xf32, #tpu.memory_space<hbm>> -> memref<100000xf32, #tpu.memory_space<hbm>>
      tpu.enqueue_indirect_dma source(%dma_start3A_19 : memref<100000xf32, #tpu.memory_space<hbm>>) target(%dma_start3A_15 : memref<256xf32, #tpu.memory_space<vmem>>) offsets(%dma_start3A_17 : memref<256xi32, #tpu.memory_space<vmem>>) semaphore(%arg15 : memref<!tpu.dma_semaphore, #tpu.memory_space<semaphore_mem>>)
      %dma_start3A_20 = arith.constant 256 : i32
      %dma_start3A_21 = tpu.memref_slice %arg11[%dma_start3A_20] : memref<2048xi32, #tpu.memory_space<vmem>> -> memref<256xi32, #tpu.memory_space<vmem>>
      %dma_start3A_22 = arith.constant 256 : i32
      %dma_start3A_23 = tpu.memref_slice %arg8[%dma_start3A_22] : memref<2048xi32, #tpu.memory_space<vmem>> -> memref<256xi32, #tpu.memory_space<vmem>>
      %dma_start3A_24 = arith.constant 0 : i32
      %dma_start3A_25 = tpu.memref_slice %arg5[%dma_start3A_24] : memref<100000xi32, #tpu.memory_space<hbm>> -> memref<100000xi32, #tpu.memory_space<hbm>>
      tpu.enqueue_indirect_dma source(%dma_start3A_25 : memref<100000xi32, #tpu.memory_space<hbm>>) target(%dma_start3A_21 : memref<256xi32, #tpu.memory_space<vmem>>) offsets(%dma_start3A_23 : memref<256xi32, #tpu.memory_space<vmem>>) semaphore(%arg16 : memref<!tpu.dma_semaphore, #tpu.memory_space<semaphore_mem>>)
      %dma_start3A_26 = arith.constant 512 : i32
      %dma_start3A_27 = tpu.memref_slice %arg10[%dma_start3A_26] : memref<2048xf32, #tpu.memory_space<vmem>> -> memref<256xf32, #tpu.memory_space<vmem>>
      %dma_start3A_28 = arith.constant 512 : i32
      %dma_start3A_29 = tpu.memref_slice %arg8[%dma_start3A_28] : memref<2048xi32, #tpu.memory_space<vmem>> -> memref<256xi32, #tpu.memory_space<vmem>>
      %dma_start3A_30 = arith.constant 0 : i32
      %dma_start3A_31 = tpu.memref_slice %arg4[%dma_start3A_30] : memref<100000xf32, #tpu.memory_space<hbm>> -> memref<100000xf32, #tpu.memory_space<hbm>>
      tpu.enqueue_indirect_dma source(%dma_start3A_31 : memref<100000xf32, #tpu.memory_space<hbm>>) target(%dma_start3A_27 : memref<256xf32, #tpu.memory_space<vmem>>) offsets(%dma_start3A_29 : memref<256xi32, #tpu.memory_space<vmem>>) semaphore(%arg15 : memref<!tpu.dma_semaphore, #tpu.memory_space<semaphore_mem>>)
      %dma_start3A_32 = arith.constant 512 : i32
      %dma_start3A_33 = tpu.memref_slice %arg11[%dma_start3A_32] : memref<2048xi32, #tpu.memory_space<vmem>> -> memref<256xi32, #tpu.memory_space<vmem>>
      %dma_start3A_34 = arith.constant 512 : i32
      %dma_start3A_35 = tpu.memref_slice %arg8[%dma_start3A_34] : memref<2048xi32, #tpu.memory_space<vmem>> -> memref<256xi32, #tpu.memory_space<vmem>>
      %dma_start3A_36 = arith.constant 0 : i32
      %dma_start3A_37 = tpu.memref_slice %arg5[%dma_start3A_36] : memref<100000xi32, #tpu.memory_space<hbm>> -> memref<100000xi32, #tpu.memory_space<hbm>>
      tpu.enqueue_indirect_dma source(%dma_start3A_37 : memref<100000xi32, #tpu.memory_space<hbm>>) target(%dma_start3A_33 : memref<256xi32, #tpu.memory_space<vmem>>) offsets(%dma_start3A_35 : memref<256xi32, #tpu.memory_space<vmem>>) semaphore(%arg16 : memref<!tpu.dma_semaphore, #tpu.memory_space<semaphore_mem>>)
      %dma_start3A_38 = arith.constant 768 : i32
      %dma_start3A_39 = tpu.memref_slice %arg10[%dma_start3A_38] : memref<2048xf32, #tpu.memory_space<vmem>> -> memref<256xf32, #tpu.memory_space<vmem>>
      %dma_start3A_40 = arith.constant 768 : i32
      %dma_start3A_41 = tpu.memref_slice %arg8[%dma_start3A_40] : memref<2048xi32, #tpu.memory_space<vmem>> -> memref<256xi32, #tpu.memory_space<vmem>>
      %dma_start3A_42 = arith.constant 0 : i32
      %dma_start3A_43 = tpu.memref_slice %arg4[%dma_start3A_42] : memref<100000xf32, #tpu.memory_space<hbm>> -> memref<100000xf32, #tpu.memory_space<hbm>>
      tpu.enqueue_indirect_dma source(%dma_start3A_43 : memref<100000xf32, #tpu.memory_space<hbm>>) target(%dma_start3A_39 : memref<256xf32, #tpu.memory_space<vmem>>) offsets(%dma_start3A_41 : memref<256xi32, #tpu.memory_space<vmem>>) semaphore(%arg15 : memref<!tpu.dma_semaphore, #tpu.memory_space<semaphore_mem>>)
      %dma_start3A_44 = arith.constant 768 : i32
      %dma_start3A_45 = tpu.memref_slice %arg11[%dma_start3A_44] : memref<2048xi32, #tpu.memory_space<vmem>> -> memref<256xi32, #tpu.memory_space<vmem>>
      %dma_start3A_46 = arith.constant 768 : i32
      %dma_start3A_47 = tpu.memref_slice %arg8[%dma_start3A_46] : memref<2048xi32, #tpu.memory_space<vmem>> -> memref<256xi32, #tpu.memory_space<vmem>>
      %dma_start3A_48 = arith.constant 0 : i32
      %dma_start3A_49 = tpu.memref_slice %arg5[%dma_start3A_48] : memref<100000xi32, #tpu.memory_space<hbm>> -> memref<100000xi32, #tpu.memory_space<hbm>>
      tpu.enqueue_indirect_dma source(%dma_start3A_49 : memref<100000xi32, #tpu.memory_space<hbm>>) target(%dma_start3A_45 : memref<256xi32, #tpu.memory_space<vmem>>) offsets(%dma_start3A_47 : memref<256xi32, #tpu.memory_space<vmem>>) semaphore(%arg16 : memref<!tpu.dma_semaphore, #tpu.memory_space<semaphore_mem>>)
      %dma_start3A_50 = arith.constant 1024 : i32
      %dma_start3A_51 = tpu.memref_slice %arg10[%dma_start3A_50] : memref<2048xf32, #tpu.memory_space<vmem>> -> memref<256xf32, #tpu.memory_space<vmem>>
      %dma_start3A_52 = arith.constant 1024 : i32
      %dma_start3A_53 = tpu.memref_slice %arg8[%dma_start3A_52] : memref<2048xi32, #tpu.memory_space<vmem>> -> memref<256xi32, #tpu.memory_space<vmem>>
      %dma_start3A_54 = arith.constant 0 : i32
      %dma_start3A_55 = tpu.memref_slice %arg4[%dma_start3A_54] : memref<100000xf32, #tpu.memory_space<hbm>> -> memref<100000xf32, #tpu.memory_space<hbm>>
      tpu.enqueue_indirect_dma source(%dma_start3A_55 : memref<100000xf32, #tpu.memory_space<hbm>>) target(%dma_start3A_51 : memref<256xf32, #tpu.memory_space<vmem>>) offsets(%dma_start3A_53 : memref<256xi32, #tpu.memory_space<vmem>>) semaphore(%arg15 : memref<!tpu.dma_semaphore, #tpu.memory_space<semaphore_mem>>)
      %dma_start3A_56 = arith.constant 1024 : i32
      %dma_start3A_57 = tpu.memref_slice %arg11[%dma_start3A_56] : memref<2048xi32, #tpu.memory_space<vmem>> -> memref<256xi32, #tpu.memory_space<vmem>>
      %dma_start3A_58 = arith.constant 1024 : i32
      %dma_start3A_59 = tpu.memref_slice %arg8[%dma_start3A_58] : memref<2048xi32, #tpu.memory_space<vmem>> -> memref<256xi32, #tpu.memory_space<vmem>>
      %dma_start3A_60 = arith.constant 0 : i32
      %dma_start3A_61 = tpu.memref_slice %arg5[%dma_start3A_60] : memref<100000xi32, #tpu.memory_space<hbm>> -> memref<100000xi32, #tpu.memory_space<hbm>>
      tpu.enqueue_indirect_dma source(%dma_start3A_61 : memref<100000xi32, #tpu.memory_space<hbm>>) target(%dma_start3A_57 : memref<256xi32, #tpu.memory_space<vmem>>) offsets(%dma_start3A_59 : memref<256xi32, #tpu.memory_space<vmem>>) semaphore(%arg16 : memref<!tpu.dma_semaphore, #tpu.memory_space<semaphore_mem>>)
      %dma_start3A_62 = arith.constant 1280 : i32
      %dma_start3A_63 = tpu.memref_slice %arg10[%dma_start3A_62] : memref<2048xf32, #tpu.memory_space<vmem>> -> memref<256xf32, #tpu.memory_space<vmem>>
      %dma_start3A_64 = arith.constant 1280 : i32
      %dma_start3A_65 = tpu.memref_slice %arg8[%dma_start3A_64] : memref<2048xi32, #tpu.memory_space<vmem>> -> memref<256xi32, #tpu.memory_space<vmem>>
      %dma_start3A_66 = arith.constant 0 : i32
      %dma_start3A_67 = tpu.memref_slice %arg4[%dma_start3A_66] : memref<100000xf32, #tpu.memory_space<hbm>> -> memref<100000xf32, #tpu.memory_space<hbm>>
      tpu.enqueue_indirect_dma source(%dma_start3A_67 : memref<100000xf32, #tpu.memory_space<hbm>>) target(%dma_start3A_63 : memref<256xf32, #tpu.memory_space<vmem>>) offsets(%dma_start3A_65 : memref<256xi32, #tpu.memory_space<vmem>>) semaphore(%arg15 : memref<!tpu.dma_semaphore, #tpu.memory_space<semaphore_mem>>)
      %dma_start3A_68 = arith.constant 1280 : i32
      %dma_start3A_69 = tpu.memref_slice %arg11[%dma_start3A_68] : memref<2048xi32, #tpu.memory_space<vmem>> -> memref<256xi32, #tpu.memory_space<vmem>>
      %dma_start3A_70 = arith.constant 1280 : i32
      %dma_start3A_71 = tpu.memref_slice %arg8[%dma_start3A_70] : memref<2048xi32, #tpu.memory_space<vmem>> -> memref<256xi32, #tpu.memory_space<vmem>>
      %dma_start3A_72 = arith.constant 0 : i32
      %dma_start3A_73 = tpu.memref_slice %arg5[%dma_start3A_72] : memref<100000xi32, #tpu.memory_space<hbm>> -> memref<100000xi32, #tpu.memory_space<hbm>>
      tpu.enqueue_indirect_dma source(%dma_start3A_73 : memref<100000xi32, #tpu.memory_space<hbm>>) target(%dma_start3A_69 : memref<256xi32, #tpu.memory_space<vmem>>) offsets(%dma_start3A_71 : memref<256xi32, #tpu.memory_space<vmem>>) semaphore(%arg16 : memref<!tpu.dma_semaphore, #tpu.memory_space<semaphore_mem>>)
      %dma_start3A_74 = arith.constant 1536 : i32
      %dma_start3A_75 = tpu.memref_slice %arg10[%dma_start3A_74] : memref<2048xf32, #tpu.memory_space<vmem>> -> memref<256xf32, #tpu.memory_space<vmem>>
      %dma_start3A_76 = arith.constant 1536 : i32
      %dma_start3A_77 = tpu.memref_slice %arg8[%dma_start3A_76] : memref<2048xi32, #tpu.memory_space<vmem>> -> memref<256xi32, #tpu.memory_space<vmem>>
      %dma_start3A_78 = arith.constant 0 : i32
      %dma_start3A_79 = tpu.memref_slice %arg4[%dma_start3A_78] : memref<100000xf32, #tpu.memory_space<hbm>> -> memref<100000xf32, #tpu.memory_space<hbm>>
      tpu.enqueue_indirect_dma source(%dma_start3A_79 : memref<100000xf32, #tpu.memory_space<hbm>>) target(%dma_start3A_75 : memref<256xf32, #tpu.memory_space<vmem>>) offsets(%dma_start3A_77 : memref<256xi32, #tpu.memory_space<vmem>>) semaphore(%arg15 : memref<!tpu.dma_semaphore, #tpu.memory_space<semaphore_mem>>)
      %dma_start3A_80 = arith.constant 1536 : i32
      %dma_start3A_81 = tpu.memref_slice %arg11[%dma_start3A_80] : memref<2048xi32, #tpu.memory_space<vmem>> -> memref<256xi32, #tpu.memory_space<vmem>>
      %dma_start3A_82 = arith.constant 1536 : i32
      %dma_start3A_83 = tpu.memref_slice %arg8[%dma_start3A_82] : memref<2048xi32, #tpu.memory_space<vmem>> -> memref<256xi32, #tpu.memory_space<vmem>>
      %dma_start3A_84 = arith.constant 0 : i32
      %dma_start3A_85 = tpu.memref_slice %arg5[%dma_start3A_84] : memref<100000xi32, #tpu.memory_space<hbm>> -> memref<100000xi32, #tpu.memory_space<hbm>>
      tpu.enqueue_indirect_dma source(%dma_start3A_85 : memref<100000xi32, #tpu.memory_space<hbm>>) target(%dma_start3A_81 : memref<256xi32, #tpu.memory_space<vmem>>) offsets(%dma_start3A_83 : memref<256xi32, #tpu.memory_space<vmem>>) semaphore(%arg16 : memref<!tpu.dma_semaphore, #tpu.memory_space<semaphore_mem>>)
      %dma_start3A_86 = arith.constant 1792 : i32
      %dma_start3A_87 = tpu.memref_slice %arg10[%dma_start3A_86] : memref<2048xf32, #tpu.memory_space<vmem>> -> memref<256xf32, #tpu.memory_space<vmem>>
      %dma_start3A_88 = arith.constant 1792 : i32
      %dma_start3A_89 = tpu.memref_slice %arg8[%dma_start3A_88] : memref<2048xi32, #tpu.memory_space<vmem>> -> memref<256xi32, #tpu.memory_space<vmem>>
      %dma_start3A_90 = arith.constant 0 : i32
      %dma_start3A_91 = tpu.memref_slice %arg4[%dma_start3A_90] : memref<100000xf32, #tpu.memory_space<hbm>> -> memref<100000xf32, #tpu.memory_space<hbm>>
      tpu.enqueue_indirect_dma source(%dma_start3A_91 : memref<100000xf32, #tpu.memory_space<hbm>>) target(%dma_start3A_87 : memref<256xf32, #tpu.memory_space<vmem>>) offsets(%dma_start3A_89 : memref<256xi32, #tpu.memory_space<vmem>>) semaphore(%arg15 : memref<!tpu.dma_semaphore, #tpu.memory_space<semaphore_mem>>)
      %dma_start3A_92 = arith.constant 1792 : i32
      %dma_start3A_93 = tpu.memref_slice %arg11[%dma_start3A_92] : memref<2048xi32, #tpu.memory_space<vmem>> -> memref<256xi32, #tpu.memory_space<vmem>>
      %dma_start3A_94 = arith.constant 1792 : i32
      %dma_start3A_95 = tpu.memref_slice %arg8[%dma_start3A_94] : memref<2048xi32, #tpu.memory_space<vmem>> -> memref<256xi32, #tpu.memory_space<vmem>>
      %dma_start3A_96 = arith.constant 0 : i32
      %dma_start3A_97 = tpu.memref_slice %arg5[%dma_start3A_96] : memref<100000xi32, #tpu.memory_space<hbm>> -> memref<100000xi32, #tpu.memory_space<hbm>>
      tpu.enqueue_indirect_dma source(%dma_start3A_97 : memref<100000xi32, #tpu.memory_space<hbm>>) target(%dma_start3A_93 : memref<256xi32, #tpu.memory_space<vmem>>) offsets(%dma_start3A_95 : memref<256xi32, #tpu.memory_space<vmem>>) semaphore(%arg16 : memref<!tpu.dma_semaphore, #tpu.memory_space<semaphore_mem>>)
      %iota3A = tpu.iota {dimensions = array<i32: 0>} : vector<16xi32>
      %scan3A = arith.constant 0 : i32
      %scan3A_98 = arith.constant 0 : i32
      %scan3A_99 = arith.constant 128 : i32
      %scan3A_100 = arith.addi %scan3A_98, %scan3A_99 : i32
      %scan3A_101 = arith.constant 4 : i32
      %scan3A_102 = scf.for %scan3A_206 = %scan3A_98 to %scan3A_100 step %scan3A_101 iter_args(%scan3A_207 = %scan3A) -> (i32)  : i32 {
        %mul3A_208 = arith.constant 16 : i32
        %mul3A_209 = arith.muli %scan3A_206, %mul3A_208 : i32
        %get3A = arith.index_cast %mul3A_209 : i32 to index
        %get3A_210 = tpu.vector_load %arg8[%get3A] {strides = array<i32>} : memref<2048xi32, #tpu.memory_space<vmem>>, vector<16xi32>,
        %get3A_211 = arith.index_cast %mul3A_209 : i32 to index
        %get3A_212 = tpu.vector_load %arg9[%get3A_211] {strides = array<i32>} : memref<2048xi32, #tpu.memory_space<vmem>>, vector<16xi32>,
        %ne3A = arith.constant 0 : i32
        %ne3A_213 = vector.broadcast %ne3A : i32 to vector<16xi32>
        %ne3A_214 = arith.cmpi ne, %get3A_212, %ne3A_213 : vector<16xi32>
        %mul3A_215 = arith.constant 16 : i32
        %mul3A_216 = arith.muli %scan3A_206, %mul3A_215 : i32
        %add3A_217 = vector.broadcast %mul3A_216 : i32 to vector<16xi32>
        %add3A_218 = arith.addi %add3A_217, %iota3A : vector<16xi32>
        %unique3A, %unique3A_219 = tpu.scan_count mask(%ne3A_214 : vector<16xi1>) value(%get3A_210 : vector<16xi32>) : vector<16xi1>, vector<16xi32>
        %and3A = arith.andi %unique3A, %ne3A_214 : vector<16xi1>
        tpu.vector_store_idx %arg12[%get3A_210], %add3A_218 masked %and3A : memref<100000xi32, #tpu.memory_space<vmem>>[vector<16xi32>], vector<16xi32>, vector<16xi1>
        %scan3A_220 = arith.constant 0 : i32
        %scan3A_221 = arith.constant 1 : i32
        %scan3A_222 = arith.addi %scan3A_206, %scan3A_221 : i32
        %mul3A_223 = arith.constant 16 : i32
        %mul3A_224 = arith.muli %scan3A_222, %mul3A_223 : i32
        %get3A_225 = arith.index_cast %mul3A_224 : i32 to index
        %get3A_226 = tpu.vector_load %arg8[%get3A_225] {strides = array<i32>} : memref<2048xi32, #tpu.memory_space<vmem>>, vector<16xi32>,
        %get3A_227 = arith.index_cast %mul3A_224 : i32 to index
        %get3A_228 = tpu.vector_load %arg9[%get3A_227] {strides = array<i32>} : memref<2048xi32, #tpu.memory_space<vmem>>, vector<16xi32>,
        %ne3A_229 = arith.constant 0 : i32
        %ne3A_230 = vector.broadcast %ne3A_229 : i32 to vector<16xi32>
        %ne3A_231 = arith.cmpi ne, %get3A_228, %ne3A_230 : vector<16xi32>
        %mul3A_232 = arith.constant 16 : i32
        %mul3A_233 = arith.muli %scan3A_222, %mul3A_232 : i32
        %add3A_234 = vector.broadcast %mul3A_233 : i32 to vector<16xi32>
        %add3A_235 = arith.addi %add3A_234, %iota3A : vector<16xi32>
        %unique3A_236, %unique3A_237 = tpu.scan_count mask(%ne3A_231 : vector<16xi1>) value(%get3A_226 : vector<16xi32>) : vector<16xi1>, vector<16xi32>
        %and3A_238 = arith.andi %unique3A_236, %ne3A_231 : vector<16xi1>
        tpu.vector_store_idx %arg12[%get3A_226], %add3A_235 masked %and3A_238 : memref<100000xi32, #tpu.memory_space<vmem>>[vector<16xi32>], vector<16xi32>, vector<16xi1>
        %scan3A_239 = arith.constant 0 : i32
        %scan3A_240 = arith.constant 2 : i32
        %scan3A_241 = arith.addi %scan3A_206, %scan3A_240 : i32
        %mul3A_242 = arith.constant 16 : i32
        %mul3A_243 = arith.muli %scan3A_241, %mul3A_242 : i32
        %get3A_244 = arith.index_cast %mul3A_243 : i32 to index
        %get3A_245 = tpu.vector_load %arg8[%get3A_244] {strides = array<i32>} : memref<2048xi32, #tpu.memory_space<vmem>>, vector<16xi32>,
        %get3A_246 = arith.index_cast %mul3A_243 : i32 to index
        %get3A_247 = tpu.vector_load %arg9[%get3A_246] {strides = array<i32>} : memref<2048xi32, #tpu.memory_space<vmem>>, vector<16xi32>,
        %ne3A_248 = arith.constant 0 : i32
        %ne3A_249 = vector.broadcast %ne3A_248 : i32 to vector<16xi32>
        %ne3A_250 = arith.cmpi ne, %get3A_247, %ne3A_249 : vector<16xi32>
        %mul3A_251 = arith.constant 16 : i32
        %mul3A_252 = arith.muli %scan3A_241, %mul3A_251 : i32
        %add3A_253 = vector.broadcast %mul3A_252 : i32 to vector<16xi32>
        %add3A_254 = arith.addi %add3A_253, %iota3A : vector<16xi32>
        %unique3A_255, %unique3A_256 = tpu.scan_count mask(%ne3A_250 : vector<16xi1>) value(%get3A_245 : vector<16xi32>) : vector<16xi1>, vector<16xi32>
        %and3A_257 = arith.andi %unique3A_255, %ne3A_250 : vector<16xi1>
        tpu.vector_store_idx %arg12[%get3A_245], %add3A_254 masked %and3A_257 : memref<100000xi32, #tpu.memory_space<vmem>>[vector<16xi32>], vector<16xi32>, vector<16xi1>
        %scan3A_258 = arith.constant 0 : i32
        %scan3A_259 = arith.constant 3 : i32
        %scan3A_260 = arith.addi %scan3A_206, %scan3A_259 : i32
        %mul3A_261 = arith.constant 16 : i32
        %mul3A_262 = arith.muli %scan3A_260, %mul3A_261 : i32
        %get3A_263 = arith.index_cast %mul3A_262 : i32 to index
        %get3A_264 = tpu.vector_load %arg8[%get3A_263] {strides = array<i32>} : memref<2048xi32, #tpu.memory_space<vmem>>, vector<16xi32>,
        %get3A_265 = arith.index_cast %mul3A_262 : i32 to index
        %get3A_266 = tpu.vector_load %arg9[%get3A_265] {strides = array<i32>} : memref<2048xi32, #tpu.memory_space<vmem>>, vector<16xi32>,
        %ne3A_267 = arith.constant 0 : i32
        %ne3A_268 = vector.broadcast %ne3A_267 : i32 to vector<16xi32>
        %ne3A_269 = arith.cmpi ne, %get3A_266, %ne3A_268 : vector<16xi32>
        %mul3A_270 = arith.constant 16 : i32
        %mul3A_271 = arith.muli %scan3A_260, %mul3A_270 : i32
        %add3A_272 = vector.broadcast %mul3A_271 : i32 to vector<16xi32>
        %add3A_273 = arith.addi %add3A_272, %iota3A : vector<16xi32>
        %unique3A_274, %unique3A_275 = tpu.scan_count mask(%ne3A_269 : vector<16xi1>) value(%get3A_264 : vector<16xi32>) : vector<16xi1>, vector<16xi32>
        %and3A_276 = arith.andi %unique3A_274, %ne3A_269 : vector<16xi1>
        tpu.vector_store_idx %arg12[%get3A_264], %add3A_273 masked %and3A_276 : memref<100000xi32, #tpu.memory_space<vmem>>[vector<16xi32>], vector<16xi32>, vector<16xi1>
        %scan3A_277 = arith.constant 0 : i32
        scf.yield %scan3A_277 : i32
      }
      %scan3A_103 = arith.constant 128 : i32
      %dma_wait3A = arith.constant 0 : i32
      %dma_wait3A_104 = tpu.memref_slice %arg10[%dma_wait3A] : memref<2048xf32, #tpu.memory_space<vmem>> -> memref<256xf32, #tpu.memory_space<vmem>>
      %dma_wait3A_105 = arith.constant 0 : i32
      %dma_wait3A_106 = tpu.memref_slice %arg8[%dma_wait3A_105] : memref<2048xi32, #tpu.memory_space<vmem>> -> memref<256xi32, #tpu.memory_space<vmem>>
      %dma_wait3A_107 = arith.constant 0 : i32
      %dma_wait3A_108 = tpu.memref_slice %arg4[%dma_wait3A_107] : memref<100000xf32, #tpu.memory_space<hbm>> -> memref<100000xf32, #tpu.memory_space<hbm>>
      tpu.wait_indirect_dma semaphore(%arg15 : memref<!tpu.dma_semaphore, #tpu.memory_space<semaphore_mem>>) src(%dma_wait3A_108 : memref<100000xf32, #tpu.memory_space<hbm>>) dst(%dma_wait3A_104 : memref<256xf32, #tpu.memory_space<vmem>>)
      %dma_wait3A_109 = arith.constant 0 : i32
      %dma_wait3A_110 = tpu.memref_slice %arg11[%dma_wait3A_109] : memref<2048xi32, #tpu.memory_space<vmem>> -> memref<256xi32, #tpu.memory_space<vmem>>
      %dma_wait3A_111 = arith.constant 0 : i32
      %dma_wait3A_112 = tpu.memref_slice %arg8[%dma_wait3A_111] : memref<2048xi32, #tpu.memory_space<vmem>> -> memref<256xi32, #tpu.memory_space<vmem>>
      %dma_wait3A_113 = arith.constant 0 : i32
      %dma_wait3A_114 = tpu.memref_slice %arg5[%dma_wait3A_113] : memref<100000xi32, #tpu.memory_space<hbm>> -> memref<100000xi32, #tpu.memory_space<hbm>>
      tpu.wait_indirect_dma semaphore(%arg16 : memref<!tpu.dma_semaphore, #tpu.memory_space<semaphore_mem>>) src(%dma_wait3A_114 : memref<100000xi32, #tpu.memory_space<hbm>>) dst(%dma_wait3A_110 : memref<256xi32, #tpu.memory_space<vmem>>)
      %dma_wait3A_115 = arith.constant 256 : i32
      %dma_wait3A_116 = tpu.memref_slice %arg10[%dma_wait3A_115] : memref<2048xf32, #tpu.memory_space<vmem>> -> memref<256xf32, #tpu.memory_space<vmem>>
      %dma_wait3A_117 = arith.constant 256 : i32
      %dma_wait3A_118 = tpu.memref_slice %arg8[%dma_wait3A_117] : memref<2048xi32, #tpu.memory_space<vmem>> -> memref<256xi32, #tpu.memory_space<vmem>>
      %dma_wait3A_119 = arith.constant 0 : i32
      %dma_wait3A_120 = tpu.memref_slice %arg4[%dma_wait3A_119] : memref<100000xf32, #tpu.memory_space<hbm>> -> memref<100000xf32, #tpu.memory_space<hbm>>
      tpu.wait_indirect_dma semaphore(%arg15 : memref<!tpu.dma_semaphore, #tpu.memory_space<semaphore_mem>>) src(%dma_wait3A_120 : memref<100000xf32, #tpu.memory_space<hbm>>) dst(%dma_wait3A_116 : memref<256xf32, #tpu.memory_space<vmem>>)
      %dma_wait3A_121 = arith.constant 256 : i32
      %dma_wait3A_122 = tpu.memref_slice %arg11[%dma_wait3A_121] : memref<2048xi32, #tpu.memory_space<vmem>> -> memref<256xi32, #tpu.memory_space<vmem>>
      %dma_wait3A_123 = arith.constant 256 : i32
      %dma_wait3A_124 = tpu.memref_slice %arg8[%dma_wait3A_123] : memref<2048xi32, #tpu.memory_space<vmem>> -> memref<256xi32, #tpu.memory_space<vmem>>
      %dma_wait3A_125 = arith.constant 0 : i32
      %dma_wait3A_126 = tpu.memref_slice %arg5[%dma_wait3A_125] : memref<100000xi32, #tpu.memory_space<hbm>> -> memref<100000xi32, #tpu.memory_space<hbm>>
      tpu.wait_indirect_dma semaphore(%arg16 : memref<!tpu.dma_semaphore, #tpu.memory_space<semaphore_mem>>) src(%dma_wait3A_126 : memref<100000xi32, #tpu.memory_space<hbm>>) dst(%dma_wait3A_122 : memref<256xi32, #tpu.memory_space<vmem>>)
      %dma_wait3A_127 = arith.constant 512 : i32
      %dma_wait3A_128 = tpu.memref_slice %arg10[%dma_wait3A_127] : memref<2048xf32, #tpu.memory_space<vmem>> -> memref<256xf32, #tpu.memory_space<vmem>>
      %dma_wait3A_129 = arith.constant 512 : i32
      %dma_wait3A_130 = tpu.memref_slice %arg8[%dma_wait3A_129] : memref<2048xi32, #tpu.memory_space<vmem>> -> memref<256xi32, #tpu.memory_space<vmem>>
      %dma_wait3A_131 = arith.constant 0 : i32
      %dma_wait3A_132 = tpu.memref_slice %arg4[%dma_wait3A_131] : memref<100000xf32, #tpu.memory_space<hbm>> -> memref<100000xf32, #tpu.memory_space<hbm>>
      tpu.wait_indirect_dma semaphore(%arg15 : memref<!tpu.dma_semaphore, #tpu.memory_space<semaphore_mem>>) src(%dma_wait3A_132 : memref<100000xf32, #tpu.memory_space<hbm>>) dst(%dma_wait3A_128 : memref<256xf32, #tpu.memory_space<vmem>>)
      %dma_wait3A_133 = arith.constant 512 : i32
      %dma_wait3A_134 = tpu.memref_slice %arg11[%dma_wait3A_133] : memref<2048xi32, #tpu.memory_space<vmem>> -> memref<256xi32, #tpu.memory_space<vmem>>
      %dma_wait3A_135 = arith.constant 512 : i32
      %dma_wait3A_136 = tpu.memref_slice %arg8[%dma_wait3A_135] : memref<2048xi32, #tpu.memory_space<vmem>> -> memref<256xi32, #tpu.memory_space<vmem>>
      %dma_wait3A_137 = arith.constant 0 : i32
      %dma_wait3A_138 = tpu.memref_slice %arg5[%dma_wait3A_137] : memref<100000xi32, #tpu.memory_space<hbm>> -> memref<100000xi32, #tpu.memory_space<hbm>>
      tpu.wait_indirect_dma semaphore(%arg16 : memref<!tpu.dma_semaphore, #tpu.memory_space<semaphore_mem>>) src(%dma_wait3A_138 : memref<100000xi32, #tpu.memory_space<hbm>>) dst(%dma_wait3A_134 : memref<256xi32, #tpu.memory_space<vmem>>)
      %dma_wait3A_139 = arith.constant 768 : i32
      %dma_wait3A_140 = tpu.memref_slice %arg10[%dma_wait3A_139] : memref<2048xf32, #tpu.memory_space<vmem>> -> memref<256xf32, #tpu.memory_space<vmem>>
      %dma_wait3A_141 = arith.constant 768 : i32
      %dma_wait3A_142 = tpu.memref_slice %arg8[%dma_wait3A_141] : memref<2048xi32, #tpu.memory_space<vmem>> -> memref<256xi32, #tpu.memory_space<vmem>>
      %dma_wait3A_143 = arith.constant 0 : i32
      %dma_wait3A_144 = tpu.memref_slice %arg4[%dma_wait3A_143] : memref<100000xf32, #tpu.memory_space<hbm>> -> memref<100000xf32, #tpu.memory_space<hbm>>
      tpu.wait_indirect_dma semaphore(%arg15 : memref<!tpu.dma_semaphore, #tpu.memory_space<semaphore_mem>>) src(%dma_wait3A_144 : memref<100000xf32, #tpu.memory_space<hbm>>) dst(%dma_wait3A_140 : memref<256xf32, #tpu.memory_space<vmem>>)
      %dma_wait3A_145 = arith.constant 768 : i32
      %dma_wait3A_146 = tpu.memref_slice %arg11[%dma_wait3A_145] : memref<2048xi32, #tpu.memory_space<vmem>> -> memref<256xi32, #tpu.memory_space<vmem>>
      %dma_wait3A_147 = arith.constant 768 : i32
      %dma_wait3A_148 = tpu.memref_slice %arg8[%dma_wait3A_147] : memref<2048xi32, #tpu.memory_space<vmem>> -> memref<256xi32, #tpu.memory_space<vmem>>
      %dma_wait3A_149 = arith.constant 0 : i32
      %dma_wait3A_150 = tpu.memref_slice %arg5[%dma_wait3A_149] : memref<100000xi32, #tpu.memory_space<hbm>> -> memref<100000xi32, #tpu.memory_space<hbm>>
      tpu.wait_indirect_dma semaphore(%arg16 : memref<!tpu.dma_semaphore, #tpu.memory_space<semaphore_mem>>) src(%dma_wait3A_150 : memref<100000xi32, #tpu.memory_space<hbm>>) dst(%dma_wait3A_146 : memref<256xi32, #tpu.memory_space<vmem>>)
      %dma_wait3A_151 = arith.constant 1024 : i32
      %dma_wait3A_152 = tpu.memref_slice %arg10[%dma_wait3A_151] : memref<2048xf32, #tpu.memory_space<vmem>> -> memref<256xf32, #tpu.memory_space<vmem>>
      %dma_wait3A_153 = arith.constant 1024 : i32
      %dma_wait3A_154 = tpu.memref_slice %arg8[%dma_wait3A_153] : memref<2048xi32, #tpu.memory_space<vmem>> -> memref<256xi32, #tpu.memory_space<vmem>>
      %dma_wait3A_155 = arith.constant 0 : i32
      %dma_wait3A_156 = tpu.memref_slice %arg4[%dma_wait3A_155] : memref<100000xf32, #tpu.memory_space<hbm>> -> memref<100000xf32, #tpu.memory_space<hbm>>
      tpu.wait_indirect_dma semaphore(%arg15 : memref<!tpu.dma_semaphore, #tpu.memory_space<semaphore_mem>>) src(%dma_wait3A_156 : memref<100000xf32, #tpu.memory_space<hbm>>) dst(%dma_wait3A_152 : memref<256xf32, #tpu.memory_space<vmem>>)
      %dma_wait3A_157 = arith.constant 1024 : i32
      %dma_wait3A_158 = tpu.memref_slice %arg11[%dma_wait3A_157] : memref<2048xi32, #tpu.memory_space<vmem>> -> memref<256xi32, #tpu.memory_space<vmem>>
      %dma_wait3A_159 = arith.constant 1024 : i32
      %dma_wait3A_160 = tpu.memref_slice %arg8[%dma_wait3A_159] : memref<2048xi32, #tpu.memory_space<vmem>> -> memref<256xi32, #tpu.memory_space<vmem>>
      %dma_wait3A_161 = arith.constant 0 : i32
      %dma_wait3A_162 = tpu.memref_slice %arg5[%dma_wait3A_161] : memref<100000xi32, #tpu.memory_space<hbm>> -> memref<100000xi32, #tpu.memory_space<hbm>>
      tpu.wait_indirect_dma semaphore(%arg16 : memref<!tpu.dma_semaphore, #tpu.memory_space<semaphore_mem>>) src(%dma_wait3A_162 : memref<100000xi32, #tpu.memory_space<hbm>>) dst(%dma_wait3A_158 : memref<256xi32, #tpu.memory_space<vmem>>)
      %dma_wait3A_163 = arith.constant 1280 : i32
      %dma_wait3A_164 = tpu.memref_slice %arg10[%dma_wait3A_163] : memref<2048xf32, #tpu.memory_space<vmem>> -> memref<256xf32, #tpu.memory_space<vmem>>
      %dma_wait3A_165 = arith.constant 1280 : i32
      %dma_wait3A_166 = tpu.memref_slice %arg8[%dma_wait3A_165] : memref<2048xi32, #tpu.memory_space<vmem>> -> memref<256xi32, #tpu.memory_space<vmem>>
      %dma_wait3A_167 = arith.constant 0 : i32
      %dma_wait3A_168 = tpu.memref_slice %arg4[%dma_wait3A_167] : memref<100000xf32, #tpu.memory_space<hbm>> -> memref<100000xf32, #tpu.memory_space<hbm>>
      tpu.wait_indirect_dma semaphore(%arg15 : memref<!tpu.dma_semaphore, #tpu.memory_space<semaphore_mem>>) src(%dma_wait3A_168 : memref<100000xf32, #tpu.memory_space<hbm>>) dst(%dma_wait3A_164 : memref<256xf32, #tpu.memory_space<vmem>>)
      %dma_wait3A_169 = arith.constant 1280 : i32
      %dma_wait3A_170 = tpu.memref_slice %arg11[%dma_wait3A_169] : memref<2048xi32, #tpu.memory_space<vmem>> -> memref<256xi32, #tpu.memory_space<vmem>>
      %dma_wait3A_171 = arith.constant 1280 : i32
      %dma_wait3A_172 = tpu.memref_slice %arg8[%dma_wait3A_171] : memref<2048xi32, #tpu.memory_space<vmem>> -> memref<256xi32, #tpu.memory_space<vmem>>
      %dma_wait3A_173 = arith.constant 0 : i32
      %dma_wait3A_174 = tpu.memref_slice %arg5[%dma_wait3A_173] : memref<100000xi32, #tpu.memory_space<hbm>> -> memref<100000xi32, #tpu.memory_space<hbm>>
      tpu.wait_indirect_dma semaphore(%arg16 : memref<!tpu.dma_semaphore, #tpu.memory_space<semaphore_mem>>) src(%dma_wait3A_174 : memref<100000xi32, #tpu.memory_space<hbm>>) dst(%dma_wait3A_170 : memref<256xi32, #tpu.memory_space<vmem>>)
      %dma_wait3A_175 = arith.constant 1536 : i32
      %dma_wait3A_176 = tpu.memref_slice %arg10[%dma_wait3A_175] : memref<2048xf32, #tpu.memory_space<vmem>> -> memref<256xf32, #tpu.memory_space<vmem>>
      %dma_wait3A_177 = arith.constant 1536 : i32
      %dma_wait3A_178 = tpu.memref_slice %arg8[%dma_wait3A_177] : memref<2048xi32, #tpu.memory_space<vmem>> -> memref<256xi32, #tpu.memory_space<vmem>>
      %dma_wait3A_179 = arith.constant 0 : i32
      %dma_wait3A_180 = tpu.memref_slice %arg4[%dma_wait3A_179] : memref<100000xf32, #tpu.memory_space<hbm>> -> memref<100000xf32, #tpu.memory_space<hbm>>
      tpu.wait_indirect_dma semaphore(%arg15 : memref<!tpu.dma_semaphore, #tpu.memory_space<semaphore_mem>>) src(%dma_wait3A_180 : memref<100000xf32, #tpu.memory_space<hbm>>) dst(%dma_wait3A_176 : memref<256xf32, #tpu.memory_space<vmem>>)
      %dma_wait3A_181 = arith.constant 1536 : i32
      %dma_wait3A_182 = tpu.memref_slice %arg11[%dma_wait3A_181] : memref<2048xi32, #tpu.memory_space<vmem>> -> memref<256xi32, #tpu.memory_space<vmem>>
      %dma_wait3A_183 = arith.constant 1536 : i32
      %dma_wait3A_184 = tpu.memref_slice %arg8[%dma_wait3A_183] : memref<2048xi32, #tpu.memory_space<vmem>> -> memref<256xi32, #tpu.memory_space<vmem>>
      %dma_wait3A_185 = arith.constant 0 : i32
      %dma_wait3A_186 = tpu.memref_slice %arg5[%dma_wait3A_185] : memref<100000xi32, #tpu.memory_space<hbm>> -> memref<100000xi32, #tpu.memory_space<hbm>>
      tpu.wait_indirect_dma semaphore(%arg16 : memref<!tpu.dma_semaphore, #tpu.memory_space<semaphore_mem>>) src(%dma_wait3A_186 : memref<100000xi32, #tpu.memory_space<hbm>>) dst(%dma_wait3A_182 : memref<256xi32, #tpu.memory_space<vmem>>)
      %dma_wait3A_187 = arith.constant 1792 : i32
      %dma_wait3A_188 = tpu.memref_slice %arg10[%dma_wait3A_187] : memref<2048xf32, #tpu.memory_space<vmem>> -> memref<256xf32, #tpu.memory_space<vmem>>
      %dma_wait3A_189 = arith.constant 1792 : i32
      %dma_wait3A_190 = tpu.memref_slice %arg8[%dma_wait3A_189] : memref<2048xi32, #tpu.memory_space<vmem>> -> memref<256xi32, #tpu.memory_space<vmem>>
      %dma_wait3A_191 = arith.constant 0 : i32
      %dma_wait3A_192 = tpu.memref_slice %arg4[%dma_wait3A_191] : memref<100000xf32, #tpu.memory_space<hbm>> -> memref<100000xf32, #tpu.memory_space<hbm>>
      tpu.wait_indirect_dma semaphore(%arg15 : memref<!tpu.dma_semaphore, #tpu.memory_space<semaphore_mem>>) src(%dma_wait3A_192 : memref<100000xf32, #tpu.memory_space<hbm>>) dst(%dma_wait3A_188 : memref<256xf32, #tpu.memory_space<vmem>>)
      %dma_wait3A_193 = arith.constant 1792 : i32
      %dma_wait3A_194 = tpu.memref_slice %arg11[%dma_wait3A_193] : memref<2048xi32, #tpu.memory_space<vmem>> -> memref<256xi32, #tpu.memory_space<vmem>>
      %dma_wait3A_195 = arith.constant 1792 : i32
      %dma_wait3A_196 = tpu.memref_slice %arg8[%dma_wait3A_195] : memref<2048xi32, #tpu.memory_space<vmem>> -> memref<256xi32, #tpu.memory_space<vmem>>
      %dma_wait3A_197 = arith.constant 0 : i32
      %dma_wait3A_198 = tpu.memref_slice %arg5[%dma_wait3A_197] : memref<100000xi32, #tpu.memory_space<hbm>> -> memref<100000xi32, #tpu.memory_space<hbm>>
      tpu.wait_indirect_dma semaphore(%arg16 : memref<!tpu.dma_semaphore, #tpu.memory_space<semaphore_mem>>) src(%dma_wait3A_198 : memref<100000xi32, #tpu.memory_space<hbm>>) dst(%dma_wait3A_194 : memref<256xi32, #tpu.memory_space<vmem>>)
      %scan3A_199 = arith.constant 0 : i32
      %scan3A_200 = arith.constant 0 : i32
      %scan3A_201 = arith.constant 128 : i32
      %scan3A_202 = arith.addi %scan3A_200, %scan3A_201 : i32
      %scan3A_203 = arith.constant 4 : i32
      %scan3A_204 = scf.for %scan3A_206 = %scan3A_200 to %scan3A_202 step %scan3A_203 iter_args(%scan3A_207 = %scan3A_199) -> (i32)  : i32 {
        %mul3A_208 = arith.constant 16 : i32
        %mul3A_209 = arith.muli %scan3A_206, %mul3A_208 : i32
        %get3A = arith.index_cast %mul3A_209 : i32 to index
        %get3A_210 = tpu.vector_load %arg8[%get3A] {strides = array<i32>} : memref<2048xi32, #tpu.memory_space<vmem>>, vector<16xi32>,
        %get3A_211 = arith.index_cast %mul3A_209 : i32 to index
        %get3A_212 = tpu.vector_load %arg9[%get3A_211] {strides = array<i32>} : memref<2048xi32, #tpu.memory_space<vmem>>, vector<16xi32>,
        %ne3A = arith.constant 0 : i32
        %ne3A_213 = vector.broadcast %ne3A : i32 to vector<16xi32>
        %ne3A_214 = arith.cmpi ne, %get3A_212, %ne3A_213 : vector<16xi32>
        %mul3A_215 = arith.constant 16 : i32
        %mul3A_216 = arith.muli %scan3A_206, %mul3A_215 : i32
        %add3A_217 = vector.broadcast %mul3A_216 : i32 to vector<16xi32>
        %add3A_218 = arith.addi %add3A_217, %iota3A : vector<16xi32>
        %gather3A = tpu.vector_load_idx %arg12[%get3A_210] : memref<100000xi32, #tpu.memory_space<vmem>>[vector<16xi32>], vector<16xi32>,
        %eq3A = arith.cmpi eq, %gather3A, %add3A_218 : vector<16xi32>
        %and3A = arith.andi %ne3A_214, %eq3A : vector<16xi1>
        %get3A_219 = arith.index_cast %mul3A_209 : i32 to index
        %get3A_220 = tpu.vector_load %arg10[%get3A_219] {strides = array<i32>} : memref<2048xf32, #tpu.memory_space<vmem>>, vector<16xf32>,
        %jit3A = arith.constant 0.000000e+00 : f32
        %broadcast_in_dim3A = vector.broadcast %jit3A : f32 to vector<16xf32>
        %select_n3A = arith.select %and3A, %get3A_220, %broadcast_in_dim3A : vector<16xi1>, vector<16xf32>
        %swap3A = arith.index_cast %mul3A_209 : i32 to index
        %swap3A_221 = tpu.vector_load %arg13[%swap3A] {strides = array<i32>} : memref<2048xf32, #tpu.memory_space<vmem>>, vector<16xf32>,
        tpu.vector_store %arg13[%swap3A], %select_n3A {strides = array<i32>} : memref<2048xf32, #tpu.memory_space<vmem>>, vector<16xf32>,
        %get3A_222 = arith.index_cast %mul3A_209 : i32 to index
        %get3A_223 = tpu.vector_load %arg11[%get3A_222] {strides = array<i32>} : memref<2048xi32, #tpu.memory_space<vmem>>, vector<16xi32>,
        %jit3A_224 = arith.constant 30 : i32
        %broadcast_in_dim3A_225 = vector.broadcast %jit3A_224 : i32 to vector<16xi32>
        %select_n3A_226 = arith.select %and3A, %get3A_223, %broadcast_in_dim3A_225 : vector<16xi1>, vector<16xi32>
        %swap3A_227 = arith.index_cast %mul3A_209 : i32 to index
        %swap3A_228 = tpu.vector_load %arg14[%swap3A_227] {strides = array<i32>} : memref<2048xi32, #tpu.memory_space<vmem>>, vector<16xi32>,
        tpu.vector_store %arg14[%swap3A_227], %select_n3A_226 {strides = array<i32>} : memref<2048xi32, #tpu.memory_space<vmem>>, vector<16xi32>,
        %scan3A_229 = arith.constant 0 : i32
        %scan3A_230 = arith.constant 1 : i32
        %scan3A_231 = arith.addi %scan3A_206, %scan3A_230 : i32
        %mul3A_232 = arith.constant 16 : i32
        %mul3A_233 = arith.muli %scan3A_231, %mul3A_232 : i32
        %get3A_234 = arith.index_cast %mul3A_233 : i32 to index
        %get3A_235 = tpu.vector_load %arg8[%get3A_234] {strides = array<i32>} : memref<2048xi32, #tpu.memory_space<vmem>>, vector<16xi32>,
        %get3A_236 = arith.index_cast %mul3A_233 : i32 to index
        %get3A_237 = tpu.vector_load %arg9[%get3A_236] {strides = array<i32>} : memref<2048xi32, #tpu.memory_space<vmem>>, vector<16xi32>,
        %ne3A_238 = arith.constant 0 : i32
        %ne3A_239 = vector.broadcast %ne3A_238 : i32 to vector<16xi32>
        %ne3A_240 = arith.cmpi ne, %get3A_237, %ne3A_239 : vector<16xi32>
        %mul3A_241 = arith.constant 16 : i32
        %mul3A_242 = arith.muli %scan3A_231, %mul3A_241 : i32
        %add3A_243 = vector.broadcast %mul3A_242 : i32 to vector<16xi32>
        %add3A_244 = arith.addi %add3A_243, %iota3A : vector<16xi32>
        %gather3A_245 = tpu.vector_load_idx %arg12[%get3A_235] : memref<100000xi32, #tpu.memory_space<vmem>>[vector<16xi32>], vector<16xi32>,
        %eq3A_246 = arith.cmpi eq, %gather3A_245, %add3A_244 : vector<16xi32>
        %and3A_247 = arith.andi %ne3A_240, %eq3A_246 : vector<16xi1>
        %get3A_248 = arith.index_cast %mul3A_233 : i32 to index
        %get3A_249 = tpu.vector_load %arg10[%get3A_248] {strides = array<i32>} : memref<2048xf32, #tpu.memory_space<vmem>>, vector<16xf32>,
        %jit3A_250 = arith.constant 0.000000e+00 : f32
        %broadcast_in_dim3A_251 = vector.broadcast %jit3A_250 : f32 to vector<16xf32>
        %select_n3A_252 = arith.select %and3A_247, %get3A_249, %broadcast_in_dim3A_251 : vector<16xi1>, vector<16xf32>
        %swap3A_253 = arith.index_cast %mul3A_233 : i32 to index
        %swap3A_254 = tpu.vector_load %arg13[%swap3A_253] {strides = array<i32>} : memref<2048xf32, #tpu.memory_space<vmem>>, vector<16xf32>,
        tpu.vector_store %arg13[%swap3A_253], %select_n3A_252 {strides = array<i32>} : memref<2048xf32, #tpu.memory_space<vmem>>, vector<16xf32>,
        %get3A_255 = arith.index_cast %mul3A_233 : i32 to index
        %get3A_256 = tpu.vector_load %arg11[%get3A_255] {strides = array<i32>} : memref<2048xi32, #tpu.memory_space<vmem>>, vector<16xi32>,
        %jit3A_257 = arith.constant 30 : i32
        %broadcast_in_dim3A_258 = vector.broadcast %jit3A_257 : i32 to vector<16xi32>
        %select_n3A_259 = arith.select %and3A_247, %get3A_256, %broadcast_in_dim3A_258 : vector<16xi1>, vector<16xi32>
        %swap3A_260 = arith.index_cast %mul3A_233 : i32 to index
        %swap3A_261 = tpu.vector_load %arg14[%swap3A_260] {strides = array<i32>} : memref<2048xi32, #tpu.memory_space<vmem>>, vector<16xi32>,
        tpu.vector_store %arg14[%swap3A_260], %select_n3A_259 {strides = array<i32>} : memref<2048xi32, #tpu.memory_space<vmem>>, vector<16xi32>,
        %scan3A_262 = arith.constant 0 : i32
        %scan3A_263 = arith.constant 2 : i32
        %scan3A_264 = arith.addi %scan3A_206, %scan3A_263 : i32
        %mul3A_265 = arith.constant 16 : i32
        %mul3A_266 = arith.muli %scan3A_264, %mul3A_265 : i32
        %get3A_267 = arith.index_cast %mul3A_266 : i32 to index
        %get3A_268 = tpu.vector_load %arg8[%get3A_267] {strides = array<i32>} : memref<2048xi32, #tpu.memory_space<vmem>>, vector<16xi32>,
        %get3A_269 = arith.index_cast %mul3A_266 : i32 to index
        %get3A_270 = tpu.vector_load %arg9[%get3A_269] {strides = array<i32>} : memref<2048xi32, #tpu.memory_space<vmem>>, vector<16xi32>,
        %ne3A_271 = arith.constant 0 : i32
        %ne3A_272 = vector.broadcast %ne3A_271 : i32 to vector<16xi32>
        %ne3A_273 = arith.cmpi ne, %get3A_270, %ne3A_272 : vector<16xi32>
        %mul3A_274 = arith.constant 16 : i32
        %mul3A_275 = arith.muli %scan3A_264, %mul3A_274 : i32
        %add3A_276 = vector.broadcast %mul3A_275 : i32 to vector<16xi32>
        %add3A_277 = arith.addi %add3A_276, %iota3A : vector<16xi32>
        %gather3A_278 = tpu.vector_load_idx %arg12[%get3A_268] : memref<100000xi32, #tpu.memory_space<vmem>>[vector<16xi32>], vector<16xi32>,
        %eq3A_279 = arith.cmpi eq, %gather3A_278, %add3A_277 : vector<16xi32>
        %and3A_280 = arith.andi %ne3A_273, %eq3A_279 : vector<16xi1>
        %get3A_281 = arith.index_cast %mul3A_266 : i32 to index
        %get3A_282 = tpu.vector_load %arg10[%get3A_281] {strides = array<i32>} : memref<2048xf32, #tpu.memory_space<vmem>>, vector<16xf32>,
        %jit3A_283 = arith.constant 0.000000e+00 : f32
        %broadcast_in_dim3A_284 = vector.broadcast %jit3A_283 : f32 to vector<16xf32>
        %select_n3A_285 = arith.select %and3A_280, %get3A_282, %broadcast_in_dim3A_284 : vector<16xi1>, vector<16xf32>
        %swap3A_286 = arith.index_cast %mul3A_266 : i32 to index
        %swap3A_287 = tpu.vector_load %arg13[%swap3A_286] {strides = array<i32>} : memref<2048xf32, #tpu.memory_space<vmem>>, vector<16xf32>,
        tpu.vector_store %arg13[%swap3A_286], %select_n3A_285 {strides = array<i32>} : memref<2048xf32, #tpu.memory_space<vmem>>, vector<16xf32>,
        %get3A_288 = arith.index_cast %mul3A_266 : i32 to index
        %get3A_289 = tpu.vector_load %arg11[%get3A_288] {strides = array<i32>} : memref<2048xi32, #tpu.memory_space<vmem>>, vector<16xi32>,
        %jit3A_290 = arith.constant 30 : i32
        %broadcast_in_dim3A_291 = vector.broadcast %jit3A_290 : i32 to vector<16xi32>
        %select_n3A_292 = arith.select %and3A_280, %get3A_289, %broadcast_in_dim3A_291 : vector<16xi1>, vector<16xi32>
        %swap3A_293 = arith.index_cast %mul3A_266 : i32 to index
        %swap3A_294 = tpu.vector_load %arg14[%swap3A_293] {strides = array<i32>} : memref<2048xi32, #tpu.memory_space<vmem>>, vector<16xi32>,
        tpu.vector_store %arg14[%swap3A_293], %select_n3A_292 {strides = array<i32>} : memref<2048xi32, #tpu.memory_space<vmem>>, vector<16xi32>,
        %scan3A_295 = arith.constant 0 : i32
        %scan3A_296 = arith.constant 3 : i32
        %scan3A_297 = arith.addi %scan3A_206, %scan3A_296 : i32
        %mul3A_298 = arith.constant 16 : i32
        %mul3A_299 = arith.muli %scan3A_297, %mul3A_298 : i32
        %get3A_300 = arith.index_cast %mul3A_299 : i32 to index
        %get3A_301 = tpu.vector_load %arg8[%get3A_300] {strides = array<i32>} : memref<2048xi32, #tpu.memory_space<vmem>>, vector<16xi32>,
        %get3A_302 = arith.index_cast %mul3A_299 : i32 to index
        %get3A_303 = tpu.vector_load %arg9[%get3A_302] {strides = array<i32>} : memref<2048xi32, #tpu.memory_space<vmem>>, vector<16xi32>,
        %ne3A_304 = arith.constant 0 : i32
        %ne3A_305 = vector.broadcast %ne3A_304 : i32 to vector<16xi32>
        %ne3A_306 = arith.cmpi ne, %get3A_303, %ne3A_305 : vector<16xi32>
        %mul3A_307 = arith.constant 16 : i32
        %mul3A_308 = arith.muli %scan3A_297, %mul3A_307 : i32
        %add3A_309 = vector.broadcast %mul3A_308 : i32 to vector<16xi32>
        %add3A_310 = arith.addi %add3A_309, %iota3A : vector<16xi32>
        %gather3A_311 = tpu.vector_load_idx %arg12[%get3A_301] : memref<100000xi32, #tpu.memory_space<vmem>>[vector<16xi32>], vector<16xi32>,
        %eq3A_312 = arith.cmpi eq, %gather3A_311, %add3A_310 : vector<16xi32>
        %and3A_313 = arith.andi %ne3A_306, %eq3A_312 : vector<16xi1>
        %get3A_314 = arith.index_cast %mul3A_299 : i32 to index
        %get3A_315 = tpu.vector_load %arg10[%get3A_314] {strides = array<i32>} : memref<2048xf32, #tpu.memory_space<vmem>>, vector<16xf32>,
        %jit3A_316 = arith.constant 0.000000e+00 : f32
        %broadcast_in_dim3A_317 = vector.broadcast %jit3A_316 : f32 to vector<16xf32>
        %select_n3A_318 = arith.select %and3A_313, %get3A_315, %broadcast_in_dim3A_317 : vector<16xi1>, vector<16xf32>
        %swap3A_319 = arith.index_cast %mul3A_299 : i32 to index
        %swap3A_320 = tpu.vector_load %arg13[%swap3A_319] {strides = array<i32>} : memref<2048xf32, #tpu.memory_space<vmem>>, vector<16xf32>,
        tpu.vector_store %arg13[%swap3A_319], %select_n3A_318 {strides = array<i32>} : memref<2048xf32, #tpu.memory_space<vmem>>, vector<16xf32>,
        %get3A_321 = arith.index_cast %mul3A_299 : i32 to index
        %get3A_322 = tpu.vector_load %arg11[%get3A_321] {strides = array<i32>} : memref<2048xi32, #tpu.memory_space<vmem>>, vector<16xi32>,
        %jit3A_323 = arith.constant 30 : i32
        %broadcast_in_dim3A_324 = vector.broadcast %jit3A_323 : i32 to vector<16xi32>
        %select_n3A_325 = arith.select %and3A_313, %get3A_322, %broadcast_in_dim3A_324 : vector<16xi1>, vector<16xi32>
        %swap3A_326 = arith.index_cast %mul3A_299 : i32 to index
        %swap3A_327 = tpu.vector_load %arg14[%swap3A_326] {strides = array<i32>} : memref<2048xi32, #tpu.memory_space<vmem>>, vector<16xi32>,
        tpu.vector_store %arg14[%swap3A_326], %select_n3A_325 {strides = array<i32>} : memref<2048xi32, #tpu.memory_space<vmem>>, vector<16xi32>,
        %scan3A_328 = arith.constant 0 : i32
        scf.yield %scan3A_328 : i32
      }
      %scan3A_205 = arith.constant 128 : i32
      "tpu.region"() ({
        %run_scoped3A = tpu.sem_alloc : memref<!tpu.dma_semaphore, #tpu.memory_space<semaphore_mem>>
        %dma_start3A_206 = arith.constant 0 : i32
        %dma_start3A_207 = tpu.memref_slice %arg6[%add3A, %dma_start3A_206] : memref<16x2048xf32, #tpu.memory_space<hbm>> -> memref<1x2048xf32, #tpu.memory_space<hbm>>
        %dma_start3A_208 = tpu.memref_squeeze %dma_start3A_207 : memref<1x2048xf32, #tpu.memory_space<hbm>> -> memref<2048xf32, #tpu.memory_space<hbm>>
        %dma_start3A_209 = arith.constant 0 : i32
        %dma_start3A_210 = tpu.memref_slice %arg6[%add3A, %dma_start3A_209] : memref<16x2048xf32, #tpu.memory_space<hbm>> -> memref<1x2048xf32, #tpu.memory_space<hbm>>
        %dma_start3A_211 = tpu.memref_squeeze %dma_start3A_210 : memref<1x2048xf32, #tpu.memory_space<hbm>> -> memref<2048xf32, #tpu.memory_space<hbm>>
        tpu.enqueue_dma source(%arg13 : memref<2048xf32, #tpu.memory_space<vmem>>) target(%dma_start3A_211 : memref<2048xf32, #tpu.memory_space<hbm>>) target_semaphore(%run_scoped3A : memref<!tpu.dma_semaphore, #tpu.memory_space<semaphore_mem>>)
        %dma_wait3A_212 = arith.constant 0 : i32
        %dma_wait3A_213 = tpu.memref_slice %arg6[%add3A, %dma_wait3A_212] : memref<16x2048xf32, #tpu.memory_space<hbm>> -> memref<1x2048xf32, #tpu.memory_space<hbm>>
        %dma_wait3A_214 = tpu.memref_squeeze %dma_wait3A_213 : memref<1x2048xf32, #tpu.memory_space<hbm>> -> memref<2048xf32, #tpu.memory_space<hbm>>
        %dma_wait3A_215 = arith.constant 0 : i32
        %dma_wait3A_216 = tpu.memref_slice %arg6[%add3A, %dma_wait3A_215] : memref<16x2048xf32, #tpu.memory_space<hbm>> -> memref<1x2048xf32, #tpu.memory_space<hbm>>
        %dma_wait3A_217 = tpu.memref_squeeze %dma_wait3A_216 : memref<1x2048xf32, #tpu.memory_space<hbm>> -> memref<2048xf32, #tpu.memory_space<hbm>>
        tpu.wait_dma2 semaphore(%run_scoped3A : memref<!tpu.dma_semaphore, #tpu.memory_space<semaphore_mem>>) src(%arg13 : memref<2048xf32, #tpu.memory_space<vmem>>) dst(%dma_wait3A_217 : memref<2048xf32, #tpu.memory_space<hbm>>)
        tpu.yield
      }) : () -> ()
      "tpu.region"() ({
        %run_scoped3A = tpu.sem_alloc : memref<!tpu.dma_semaphore, #tpu.memory_space<semaphore_mem>>
        %dma_start3A_206 = arith.constant 0 : i32
        %dma_start3A_207 = tpu.memref_slice %arg7[%add3A, %dma_start3A_206] : memref<16x2048xi32, #tpu.memory_space<hbm>> -> memref<1x2048xi32, #tpu.memory_space<hbm>>
        %dma_start3A_208 = tpu.memref_squeeze %dma_start3A_207 : memref<1x2048xi32, #tpu.memory_space<hbm>> -> memref<2048xi32, #tpu.memory_space<hbm>>
        %dma_start3A_209 = arith.constant 0 : i32
        %dma_start3A_210 = tpu.memref_slice %arg7[%add3A, %dma_start3A_209] : memref<16x2048xi32, #tpu.memory_space<hbm>> -> memref<1x2048xi32, #tpu.memory_space<hbm>>
        %dma_start3A_211 = tpu.memref_squeeze %dma_start3A_210 : memref<1x2048xi32, #tpu.memory_space<hbm>> -> memref<2048xi32, #tpu.memory_space<hbm>>
        tpu.enqueue_dma source(%arg14 : memref<2048xi32, #tpu.memory_space<vmem>>) target(%dma_start3A_211 : memref<2048xi32, #tpu.memory_space<hbm>>) target_semaphore(%run_scoped3A : memref<!tpu.dma_semaphore, #tpu.memory_space<semaphore_mem>>)
        %dma_wait3A_212 = arith.constant 0 : i32
        %dma_wait3A_213 = tpu.memref_slice %arg7[%add3A, %dma_wait3A_212] : memref<16x2048xi32, #tpu.memory_space<hbm>> -> memref<1x2048xi32, #tpu.memory_space<hbm>>
        %dma_wait3A_214 = tpu.memref_squeeze %dma_wait3A_213 : memref<1x2048xi32, #tpu.memory_space<hbm>> -> memref<2048xi32, #tpu.memory_space<hbm>>
        %dma_wait3A_215 = arith.constant 0 : i32
        %dma_wait3A_216 = tpu.memref_slice %arg7[%add3A, %dma_wait3A_215] : memref<16x2048xi32, #tpu.memory_space<hbm>> -> memref<1x2048xi32, #tpu.memory_space<hbm>>
        %dma_wait3A_217 = tpu.memref_squeeze %dma_wait3A_216 : memref<1x2048xi32, #tpu.memory_space<hbm>> -> memref<2048xi32, #tpu.memory_space<hbm>>
        tpu.wait_dma2 semaphore(%run_scoped3A : memref<!tpu.dma_semaphore, #tpu.memory_space<semaphore_mem>>) src(%arg14 : memref<2048xi32, #tpu.memory_space<vmem>>) dst(%dma_wait3A_217 : memref<2048xi32, #tpu.memory_space<hbm>>)
        tpu.yield
      }) : () -> ()
    } else {
    }
    return
  }
}

module attributes {stable_mosaic.version = 14 : i64} {
  func.func @_tc_body(%arg0: i32, %arg1: memref<2x2048x128xf32, #tpu.memory_space<vmem>>, %arg2: memref<16x2048xf32, #tpu.memory_space<vmem>>, %arg3: memref<16x2048xi32, #tpu.memory_space<vmem>>, %arg4: memref<30x128xf32, #tpu.memory_space<vmem>>, %arg5: memref<465x32xf32, #tpu.memory_space<vmem>>, %arg6: memref<465x32xf32, #tpu.memory_space<vmem>>, %arg7: memref<1x593xf32, #tpu.memory_space<vmem>>, %arg8: memref<16x593xf32, #tpu.memory_space<vmem>>) attributes {dimension_semantics = [#tpu.dimension_semantics<arbitrary>], iteration_bounds = array<i64: 8>, scalar_prefetch = 0 : i64, scratch_operands = 0 : i64, tpu.core_type = #tpu.core_type<tc>, window_params = [{transform_indices = @transform_0, window_bounds = array<i64: 2, 2048, 128>}, {pipeline_mode = #tpu.pipeline_mode<synchronous>, transform_indices = @transform_1, window_bounds = array<i64: 16, 2048>}, {pipeline_mode = #tpu.pipeline_mode<synchronous>, transform_indices = @transform_2, window_bounds = array<i64: 16, 2048>}, {pipeline_mode = #tpu.pipeline_mode<synchronous>, transform_indices = @transform_3, window_bounds = array<i64: 30, 128>}, {pipeline_mode = #tpu.pipeline_mode<synchronous>, transform_indices = @transform_4, window_bounds = array<i64: 465, 32>}, {pipeline_mode = #tpu.pipeline_mode<synchronous>, transform_indices = @transform_5, window_bounds = array<i64: 465, 32>}, {pipeline_mode = #tpu.pipeline_mode<synchronous>, transform_indices = @transform_6, window_bounds = array<i64: 1, 593>}, {pipeline_mode = #tpu.pipeline_mode<synchronous>, transform_indices = @transform_7, window_bounds = array<i64: 16, 593>}]} {
    %mul3A = arith.constant 2 : i32
    %mul3A_0 = arith.muli %arg0, %mul3A : i32
    %add3A = arith.constant 0 : i32
    %add3A_1 = arith.addi %mul3A_0, %add3A : i32
    %get3A = arith.constant 0 : index
    %get3A_2 = arith.constant 0 : index
    %get3A_3 = arith.constant 0 : index
    %get3A_4 = vector.load %arg1[%get3A, %get3A_2, %get3A_3] : memref<2x2048x128xf32, #tpu.memory_space<vmem>>, vector<1x2048x128xf32>
    %get3A_5 = vector.shape_cast %get3A_4 : vector<1x2048x128xf32> to vector<2048x128xf32>
    %get3A_6 = arith.index_cast %add3A_1 : i32 to index
    %get3A_7 = arith.constant 0 : index
    %get3A_8 = vector.load %arg2[%get3A_6, %get3A_7] : memref<16x2048xf32, #tpu.memory_space<vmem>>, vector<1x2048xf32>
    %get3A_9 = arith.index_cast %add3A_1 : i32 to index
    %get3A_10 = arith.constant 0 : index
    %get3A_11 = vector.load %arg3[%get3A_9, %get3A_10] : memref<16x2048xi32, #tpu.memory_space<vmem>>, vector<1x2048xi32>
    %iota3A = tpu.iota {dimensions = array<i32: 0>} : vector<32x2048xi32>
    %eq3A = vector.broadcast %get3A_11 : vector<1x2048xi32> to vector<32x2048xi32>
    %eq3A_12 = arith.cmpi eq, %eq3A, %iota3A : vector<32x2048xi32>
    %jit3A = arith.constant 0.000000e+00 : f32
    %broadcast_in_dim3A = vector.shape_cast %get3A_8 : vector<1x2048xf32> to vector<1x2048xf32>
    %broadcast_in_dim3A_13 = vector.broadcast %broadcast_in_dim3A : vector<1x2048xf32> to vector<32x2048xf32>
    %broadcast_in_dim3A_14 = vector.broadcast %jit3A : f32 to vector<32x2048xf32>
    %select_n3A = arith.select %eq3A_12, %broadcast_in_dim3A_13, %broadcast_in_dim3A_14 : vector<32x2048xi1>, vector<32x2048xf32>
    %lt3A = arith.constant 30 : i32
    %lt3A_15 = vector.broadcast %lt3A : i32 to vector<1x2048xi32>
    %lt3A_16 = arith.cmpi slt, %get3A_11, %lt3A_15 : vector<1x2048xi32>
    %convert_element_type3A = arith.extui %lt3A_16 : vector<1x2048xi1> to vector<1x2048xi32>
    %convert_element_type3A_17 = arith.sitofp %convert_element_type3A : vector<1x2048xi32> to vector<1x2048xf32>
    %jit3A_18 = arith.constant 0.000000e+00 : f32
    %broadcast_in_dim3A_19 = vector.shape_cast %convert_element_type3A_17 : vector<1x2048xf32> to vector<1x2048xf32>
    %broadcast_in_dim3A_20 = vector.broadcast %broadcast_in_dim3A_19 : vector<1x2048xf32> to vector<32x2048xf32>
    %broadcast_in_dim3A_21 = vector.broadcast %jit3A_18 : f32 to vector<32x2048xf32>
    %select_n3A_22 = arith.select %eq3A_12, %broadcast_in_dim3A_20, %broadcast_in_dim3A_21 : vector<32x2048xi1>, vector<32x2048xf32>
    %dot_general3A = arith.constant dense<0.000000e+00> : vector<32x128xf32>
    %dot_general3A_23 = tpu.matmul %select_n3A, %get3A_5, %dot_general3A {dimension_numbers = #tpu.dot_dimension_numbers<[1], [0], [0], [1], [0, 0, 1, 1], [], []>, transpose_lhs_hint = false} : vector<32x2048xf32>, vector<2048x128xf32>, vector<32x128xf32> -> vector<32x128xf32>
    %reduce_sum3A = arith.constant dense<0.000000e+00> : vector<32xf32>
    %reduce_sum3A_24 = vector.multi_reduction <add>, %select_n3A_22, %reduce_sum3A [1] : vector<32x2048xf32> to vector<32xf32>
    %broadcast_in_dim3A_25 = vector.shape_cast %reduce_sum3A_24 : vector<32xf32> to vector<32x1xf32>
    %reduce_sum3A_26 = vector.shape_cast %broadcast_in_dim3A_25 : vector<32x1xf32> to vector<1x32x1xf32>
    %reduce_sum3A_27 = arith.constant dense<0.000000e+00> : vector<1xf32>
    %reduce_sum3A_28 = vector.multi_reduction <add>, %reduce_sum3A_26, %reduce_sum3A_27 [1, 2] : vector<1x32x1xf32> to vector<1xf32>
    %reduce_sum3A_29 = vector.shape_cast %reduce_sum3A_28 : vector<1xf32> to vector<1x1x1xf32>
    %reduce_sum3A_30 = vector.extract %reduce_sum3A_29[0, 0, 0] : f32 from vector<1x1x1xf32>
    %max3A = arith.constant 1.000000e+00 : f32
    %max3A_31 = arith.maximumf %reduce_sum3A_30, %max3A : f32
    %reduce_sum3A_32 = arith.constant dense<0.000000e+00> : vector<128xf32>
    %reduce_sum3A_33 = vector.multi_reduction <add>, %dot_general3A_23, %reduce_sum3A_32 [0] : vector<32x128xf32> to vector<128xf32>
    %broadcast_in_dim3A_34 = vector.shape_cast %reduce_sum3A_33 : vector<128xf32> to vector<1x128xf32>
    %div3A = vector.broadcast %max3A_31 : f32 to vector<1x128xf32>
    %div3A_35 = arith.divf %broadcast_in_dim3A_34, %div3A : vector<1x128xf32>
    %get3A_36 = arith.constant 0 : index
    %get3A_37 = arith.constant 0 : index
    %get3A_38 = vector.load %arg4[%get3A_36, %get3A_37] : memref<30x128xf32, #tpu.memory_space<vmem>>, vector<30x128xf32>
    %broadcast_in_dim3A_39 = arith.constant 0.000000e+00 : f32
    %broadcast_in_dim3A_40 = vector.broadcast %broadcast_in_dim3A_39 : f32 to vector<2x128xf32>
    %concatenate3A = tpu.concatenate %get3A_38, %broadcast_in_dim3A_40 in 0 : vector<30x128xf32>, vector<2x128xf32> -> vector<32x128xf32>
    %mul3A_41 = vector.broadcast %broadcast_in_dim3A_25 : vector<32x1xf32> to vector<32x128xf32>
    %mul3A_42 = arith.mulf %mul3A_41, %concatenate3A : vector<32x128xf32>
    %sub3A = arith.subf %dot_general3A_23, %mul3A_42 : vector<32x128xf32>
    %reduce_sum3A_43 = arith.constant dense<0.000000e+00> : vector<32xf32>
    %reduce_sum3A_44 = vector.multi_reduction <add>, %sub3A, %reduce_sum3A_43 [1] : vector<32x128xf32> to vector<32xf32>
    %broadcast_in_dim3A_45 = vector.shape_cast %reduce_sum3A_44 : vector<32xf32> to vector<32x1xf32>
    %div3A_46 = arith.constant 1.280000e+02 : f32
    %div3A_47 = vector.broadcast %div3A_46 : f32 to vector<32x1xf32>
    %div3A_48 = arith.divf %broadcast_in_dim3A_45, %div3A_47 : vector<32x1xf32>
    %sub3A_49 = vector.broadcast %div3A_48 : vector<32x1xf32> to vector<32x128xf32>
    %sub3A_50 = arith.subf %sub3A, %sub3A_49 : vector<32x128xf32>
    %get3A_51 = arith.constant 0 : index
    %get3A_52 = arith.constant 0 : index
    %get3A_53 = vector.load %arg5[%get3A_51, %get3A_52] : memref<465x32xf32, #tpu.memory_space<vmem>>, vector<465x32xf32>
    %dot_general3A_54 = arith.constant dense<0.000000e+00> : vector<128x465xf32>
    %dot_general3A_55 = tpu.matmul %sub3A_50, %get3A_53, %dot_general3A_54 {dimension_numbers = #tpu.dot_dimension_numbers<[0], [1], [1], [0], [0, 1, 1, 0], [], []>, transpose_lhs_hint = false} : vector<32x128xf32>, vector<465x32xf32>, vector<128x465xf32> -> vector<128x465xf32>
    %get3A_56 = arith.constant 0 : index
    %get3A_57 = arith.constant 0 : index
    %get3A_58 = vector.load %arg6[%get3A_56, %get3A_57] : memref<465x32xf32, #tpu.memory_space<vmem>>, vector<465x32xf32>
    %dot_general3A_59 = arith.constant dense<0.000000e+00> : vector<128x465xf32>
    %dot_general3A_60 = tpu.matmul %sub3A_50, %get3A_58, %dot_general3A_59 {dimension_numbers = #tpu.dot_dimension_numbers<[0], [1], [1], [0], [0, 1, 1, 0], [], []>, transpose_lhs_hint = false} : vector<32x128xf32>, vector<465x32xf32>, vector<128x465xf32> -> vector<128x465xf32>
    %mul3A_61 = arith.mulf %dot_general3A_55, %dot_general3A_60 : vector<128x465xf32>
    %reduce_sum3A_62 = arith.constant dense<0.000000e+00> : vector<465xf32>
    %reduce_sum3A_63 = vector.multi_reduction <add>, %mul3A_61, %reduce_sum3A_62 [0] : vector<128x465xf32> to vector<465xf32>
    %broadcast_in_dim3A_64 = vector.shape_cast %reduce_sum3A_63 : vector<465xf32> to vector<1x465xf32>
    %mul3A_65 = arith.mulf %broadcast_in_dim3A_64, %broadcast_in_dim3A_64 : vector<1x465xf32>
    %reduce_sum3A_66 = vector.shape_cast %mul3A_65 : vector<1x465xf32> to vector<1x1x465xf32>
    %reduce_sum3A_67 = arith.constant dense<0.000000e+00> : vector<1xf32>
    %reduce_sum3A_68 = vector.multi_reduction <add>, %reduce_sum3A_66, %reduce_sum3A_67 [1, 2] : vector<1x1x465xf32> to vector<1xf32>
    %reduce_sum3A_69 = vector.shape_cast %reduce_sum3A_68 : vector<1xf32> to vector<1x1x1xf32>
    %reduce_sum3A_70 = vector.extract %reduce_sum3A_69[0, 0, 0] : f32 from vector<1x1x1xf32>
    %rsqrt3A = math.rsqrt %reduce_sum3A_70 : f32
    %mul3A_71 = vector.broadcast %rsqrt3A : f32 to vector<1x465xf32>
    %mul3A_72 = arith.mulf %broadcast_in_dim3A_64, %mul3A_71 : vector<1x465xf32>
    %concatenate3A_73 = tpu.concatenate %div3A_35, %mul3A_72 in 1 : vector<1x128xf32>, vector<1x465xf32> -> vector<1x593xf32>
    %get3A_74 = arith.constant 0 : index
    %get3A_75 = arith.constant 0 : index
    %get3A_76 = vector.load %arg7[%get3A_74, %get3A_75] : memref<1x593xf32, #tpu.memory_space<vmem>>, vector<1x593xf32>
    %mul3A_77 = arith.mulf %concatenate3A_73, %get3A_76 : vector<1x593xf32>
    %reduce_sum3A_78 = vector.shape_cast %mul3A_77 : vector<1x593xf32> to vector<1x1x593xf32>
    %reduce_sum3A_79 = arith.constant dense<0.000000e+00> : vector<1xf32>
    %reduce_sum3A_80 = vector.multi_reduction <add>, %reduce_sum3A_78, %reduce_sum3A_79 [1, 2] : vector<1x1x593xf32> to vector<1xf32>
    %reduce_sum3A_81 = vector.shape_cast %reduce_sum3A_80 : vector<1xf32> to vector<1x1x1xf32>
    %reduce_sum3A_82 = vector.extract %reduce_sum3A_81[0, 0, 0] : f32 from vector<1x1x1xf32>
    %mul3A_83 = vector.broadcast %reduce_sum3A_82 : f32 to vector<1x593xf32>
    %mul3A_84 = arith.mulf %mul3A_83, %get3A_76 : vector<1x593xf32>
    %sub3A_85 = arith.subf %concatenate3A_73, %mul3A_84 : vector<1x593xf32>
    %swap3A = arith.index_cast %add3A_1 : i32 to index
    %swap3A_86 = arith.constant 0 : index
    %swap3A_87 = vector.load %arg8[%swap3A, %swap3A_86] : memref<16x593xf32, #tpu.memory_space<vmem>>, vector<1x593xf32>
    tpu.vector_store %arg8[%swap3A, %swap3A_86], %sub3A_85 {strides = array<i32>} : memref<16x593xf32, #tpu.memory_space<vmem>>, vector<1x593xf32>,
    %mul3A_88 = arith.constant 2 : i32
    %mul3A_89 = arith.muli %arg0, %mul3A_88 : i32
    %add3A_90 = arith.constant 1 : i32
    %add3A_91 = arith.addi %mul3A_89, %add3A_90 : i32
    %get3A_92 = arith.constant 1 : index
    %get3A_93 = arith.constant 0 : index
    %get3A_94 = arith.constant 0 : index
    %get3A_95 = vector.load %arg1[%get3A_92, %get3A_93, %get3A_94] : memref<2x2048x128xf32, #tpu.memory_space<vmem>>, vector<1x2048x128xf32>
    %get3A_96 = vector.shape_cast %get3A_95 : vector<1x2048x128xf32> to vector<2048x128xf32>
    %get3A_97 = arith.index_cast %add3A_91 : i32 to index
    %get3A_98 = arith.constant 0 : index
    %get3A_99 = vector.load %arg2[%get3A_97, %get3A_98] : memref<16x2048xf32, #tpu.memory_space<vmem>>, vector<1x2048xf32>
    %get3A_100 = arith.index_cast %add3A_91 : i32 to index
    %get3A_101 = arith.constant 0 : index
    %get3A_102 = vector.load %arg3[%get3A_100, %get3A_101] : memref<16x2048xi32, #tpu.memory_space<vmem>>, vector<1x2048xi32>
    %iota3A_103 = tpu.iota {dimensions = array<i32: 0>} : vector<32x2048xi32>
    %eq3A_104 = vector.broadcast %get3A_102 : vector<1x2048xi32> to vector<32x2048xi32>
    %eq3A_105 = arith.cmpi eq, %eq3A_104, %iota3A_103 : vector<32x2048xi32>
    %jit3A_106 = arith.constant 0.000000e+00 : f32
    %broadcast_in_dim3A_107 = vector.shape_cast %get3A_99 : vector<1x2048xf32> to vector<1x2048xf32>
    %broadcast_in_dim3A_108 = vector.broadcast %broadcast_in_dim3A_107 : vector<1x2048xf32> to vector<32x2048xf32>
    %broadcast_in_dim3A_109 = vector.broadcast %jit3A_106 : f32 to vector<32x2048xf32>
    %select_n3A_110 = arith.select %eq3A_105, %broadcast_in_dim3A_108, %broadcast_in_dim3A_109 : vector<32x2048xi1>, vector<32x2048xf32>
    %lt3A_111 = arith.constant 30 : i32
    %lt3A_112 = vector.broadcast %lt3A_111 : i32 to vector<1x2048xi32>
    %lt3A_113 = arith.cmpi slt, %get3A_102, %lt3A_112 : vector<1x2048xi32>
    %convert_element_type3A_114 = arith.extui %lt3A_113 : vector<1x2048xi1> to vector<1x2048xi32>
    %convert_element_type3A_115 = arith.sitofp %convert_element_type3A_114 : vector<1x2048xi32> to vector<1x2048xf32>
    %jit3A_116 = arith.constant 0.000000e+00 : f32
    %broadcast_in_dim3A_117 = vector.shape_cast %convert_element_type3A_115 : vector<1x2048xf32> to vector<1x2048xf32>
    %broadcast_in_dim3A_118 = vector.broadcast %broadcast_in_dim3A_117 : vector<1x2048xf32> to vector<32x2048xf32>
    %broadcast_in_dim3A_119 = vector.broadcast %jit3A_116 : f32 to vector<32x2048xf32>
    %select_n3A_120 = arith.select %eq3A_105, %broadcast_in_dim3A_118, %broadcast_in_dim3A_119 : vector<32x2048xi1>, vector<32x2048xf32>
    %dot_general3A_121 = arith.constant dense<0.000000e+00> : vector<32x128xf32>
    %dot_general3A_122 = tpu.matmul %select_n3A_110, %get3A_96, %dot_general3A_121 {dimension_numbers = #tpu.dot_dimension_numbers<[1], [0], [0], [1], [0, 0, 1, 1], [], []>, transpose_lhs_hint = false} : vector<32x2048xf32>, vector<2048x128xf32>, vector<32x128xf32> -> vector<32x128xf32>
    %reduce_sum3A_123 = arith.constant dense<0.000000e+00> : vector<32xf32>
    %reduce_sum3A_124 = vector.multi_reduction <add>, %select_n3A_120, %reduce_sum3A_123 [1] : vector<32x2048xf32> to vector<32xf32>
    %broadcast_in_dim3A_125 = vector.shape_cast %reduce_sum3A_124 : vector<32xf32> to vector<32x1xf32>
    %reduce_sum3A_126 = vector.shape_cast %broadcast_in_dim3A_125 : vector<32x1xf32> to vector<1x32x1xf32>
    %reduce_sum3A_127 = arith.constant dense<0.000000e+00> : vector<1xf32>
    %reduce_sum3A_128 = vector.multi_reduction <add>, %reduce_sum3A_126, %reduce_sum3A_127 [1, 2] : vector<1x32x1xf32> to vector<1xf32>
    %reduce_sum3A_129 = vector.shape_cast %reduce_sum3A_128 : vector<1xf32> to vector<1x1x1xf32>
    %reduce_sum3A_130 = vector.extract %reduce_sum3A_129[0, 0, 0] : f32 from vector<1x1x1xf32>
    %max3A_131 = arith.constant 1.000000e+00 : f32
    %max3A_132 = arith.maximumf %reduce_sum3A_130, %max3A_131 : f32
    %reduce_sum3A_133 = arith.constant dense<0.000000e+00> : vector<128xf32>
    %reduce_sum3A_134 = vector.multi_reduction <add>, %dot_general3A_122, %reduce_sum3A_133 [0] : vector<32x128xf32> to vector<128xf32>
    %broadcast_in_dim3A_135 = vector.shape_cast %reduce_sum3A_134 : vector<128xf32> to vector<1x128xf32>
    %div3A_136 = vector.broadcast %max3A_132 : f32 to vector<1x128xf32>
    %div3A_137 = arith.divf %broadcast_in_dim3A_135, %div3A_136 : vector<1x128xf32>
    %get3A_138 = arith.constant 0 : index
    %get3A_139 = arith.constant 0 : index
    %get3A_140 = vector.load %arg4[%get3A_138, %get3A_139] : memref<30x128xf32, #tpu.memory_space<vmem>>, vector<30x128xf32>
    %broadcast_in_dim3A_141 = arith.constant 0.000000e+00 : f32
    %broadcast_in_dim3A_142 = vector.broadcast %broadcast_in_dim3A_141 : f32 to vector<2x128xf32>
    %concatenate3A_143 = tpu.concatenate %get3A_140, %broadcast_in_dim3A_142 in 0 : vector<30x128xf32>, vector<2x128xf32> -> vector<32x128xf32>
    %mul3A_144 = vector.broadcast %broadcast_in_dim3A_125 : vector<32x1xf32> to vector<32x128xf32>
    %mul3A_145 = arith.mulf %mul3A_144, %concatenate3A_143 : vector<32x128xf32>
    %sub3A_146 = arith.subf %dot_general3A_122, %mul3A_145 : vector<32x128xf32>
    %reduce_sum3A_147 = arith.constant dense<0.000000e+00> : vector<32xf32>
    %reduce_sum3A_148 = vector.multi_reduction <add>, %sub3A_146, %reduce_sum3A_147 [1] : vector<32x128xf32> to vector<32xf32>
    %broadcast_in_dim3A_149 = vector.shape_cast %reduce_sum3A_148 : vector<32xf32> to vector<32x1xf32>
    %div3A_150 = arith.constant 1.280000e+02 : f32
    %div3A_151 = vector.broadcast %div3A_150 : f32 to vector<32x1xf32>
    %div3A_152 = arith.divf %broadcast_in_dim3A_149, %div3A_151 : vector<32x1xf32>
    %sub3A_153 = vector.broadcast %div3A_152 : vector<32x1xf32> to vector<32x128xf32>
    %sub3A_154 = arith.subf %sub3A_146, %sub3A_153 : vector<32x128xf32>
    %get3A_155 = arith.constant 0 : index
    %get3A_156 = arith.constant 0 : index
    %get3A_157 = vector.load %arg5[%get3A_155, %get3A_156] : memref<465x32xf32, #tpu.memory_space<vmem>>, vector<465x32xf32>
    %dot_general3A_158 = arith.constant dense<0.000000e+00> : vector<128x465xf32>
    %dot_general3A_159 = tpu.matmul %sub3A_154, %get3A_157, %dot_general3A_158 {dimension_numbers = #tpu.dot_dimension_numbers<[0], [1], [1], [0], [0, 1, 1, 0], [], []>, transpose_lhs_hint = false} : vector<32x128xf32>, vector<465x32xf32>, vector<128x465xf32> -> vector<128x465xf32>
    %get3A_160 = arith.constant 0 : index
    %get3A_161 = arith.constant 0 : index
    %get3A_162 = vector.load %arg6[%get3A_160, %get3A_161] : memref<465x32xf32, #tpu.memory_space<vmem>>, vector<465x32xf32>
    %dot_general3A_163 = arith.constant dense<0.000000e+00> : vector<128x465xf32>
    %dot_general3A_164 = tpu.matmul %sub3A_154, %get3A_162, %dot_general3A_163 {dimension_numbers = #tpu.dot_dimension_numbers<[0], [1], [1], [0], [0, 1, 1, 0], [], []>, transpose_lhs_hint = false} : vector<32x128xf32>, vector<465x32xf32>, vector<128x465xf32> -> vector<128x465xf32>
    %mul3A_165 = arith.mulf %dot_general3A_159, %dot_general3A_164 : vector<128x465xf32>
    %reduce_sum3A_166 = arith.constant dense<0.000000e+00> : vector<465xf32>
    %reduce_sum3A_167 = vector.multi_reduction <add>, %mul3A_165, %reduce_sum3A_166 [0] : vector<128x465xf32> to vector<465xf32>
    %broadcast_in_dim3A_168 = vector.shape_cast %reduce_sum3A_167 : vector<465xf32> to vector<1x465xf32>
    %mul3A_169 = arith.mulf %broadcast_in_dim3A_168, %broadcast_in_dim3A_168 : vector<1x465xf32>
    %reduce_sum3A_170 = vector.shape_cast %mul3A_169 : vector<1x465xf32> to vector<1x1x465xf32>
    %reduce_sum3A_171 = arith.constant dense<0.000000e+00> : vector<1xf32>
    %reduce_sum3A_172 = vector.multi_reduction <add>, %reduce_sum3A_170, %reduce_sum3A_171 [1, 2] : vector<1x1x465xf32> to vector<1xf32>
    %reduce_sum3A_173 = vector.shape_cast %reduce_sum3A_172 : vector<1xf32> to vector<1x1x1xf32>
    %reduce_sum3A_174 = vector.extract %reduce_sum3A_173[0, 0, 0] : f32 from vector<1x1x1xf32>
    %rsqrt3A_175 = math.rsqrt %reduce_sum3A_174 : f32
    %mul3A_176 = vector.broadcast %rsqrt3A_175 : f32 to vector<1x465xf32>
    %mul3A_177 = arith.mulf %broadcast_in_dim3A_168, %mul3A_176 : vector<1x465xf32>
    %concatenate3A_178 = tpu.concatenate %div3A_137, %mul3A_177 in 1 : vector<1x128xf32>, vector<1x465xf32> -> vector<1x593xf32>
    %get3A_179 = arith.constant 0 : index
    %get3A_180 = arith.constant 0 : index
    %get3A_181 = vector.load %arg7[%get3A_179, %get3A_180] : memref<1x593xf32, #tpu.memory_space<vmem>>, vector<1x593xf32>
    %mul3A_182 = arith.mulf %concatenate3A_178, %get3A_181 : vector<1x593xf32>
    %reduce_sum3A_183 = vector.shape_cast %mul3A_182 : vector<1x593xf32> to vector<1x1x593xf32>
    %reduce_sum3A_184 = arith.constant dense<0.000000e+00> : vector<1xf32>
    %reduce_sum3A_185 = vector.multi_reduction <add>, %reduce_sum3A_183, %reduce_sum3A_184 [1, 2] : vector<1x1x593xf32> to vector<1xf32>
    %reduce_sum3A_186 = vector.shape_cast %reduce_sum3A_185 : vector<1xf32> to vector<1x1x1xf32>
    %reduce_sum3A_187 = vector.extract %reduce_sum3A_186[0, 0, 0] : f32 from vector<1x1x1xf32>
    %mul3A_188 = vector.broadcast %reduce_sum3A_187 : f32 to vector<1x593xf32>
    %mul3A_189 = arith.mulf %mul3A_188, %get3A_181 : vector<1x593xf32>
    %sub3A_190 = arith.subf %concatenate3A_178, %mul3A_189 : vector<1x593xf32>
    %swap3A_191 = arith.index_cast %add3A_91 : i32 to index
    %swap3A_192 = arith.constant 0 : index
    %swap3A_193 = vector.load %arg8[%swap3A_191, %swap3A_192] : memref<16x593xf32, #tpu.memory_space<vmem>>, vector<1x593xf32>
    tpu.vector_store %arg8[%swap3A_191, %swap3A_192], %sub3A_190 {strides = array<i32>} : memref<16x593xf32, #tpu.memory_space<vmem>>, vector<1x593xf32>,
    return
  }
  func.func @transform_0(%arg0: i32) -> (i32, i32, i32) {
    %c0_i32 = arith.constant 0 : i32
    %c0_i32_0 = arith.constant 0 : i32
    %c0_i32_1 = arith.constant 0 : i32
    return %arg0, %c0_i32, %c0_i32_0 : i32, i32, i32
  }
  func.func @transform_1(%arg0: i32) -> (i32, i32) {
    %c0_i32 = arith.constant 0 : i32
    %c0_i32_0 = arith.constant 0 : i32
    %c0_i32_1 = arith.constant 0 : i32
    return %c0_i32, %c0_i32_0 : i32, i32
  }
  func.func @transform_2(%arg0: i32) -> (i32, i32) {
    %c0_i32 = arith.constant 0 : i32
    %c0_i32_0 = arith.constant 0 : i32
    %c0_i32_1 = arith.constant 0 : i32
    return %c0_i32, %c0_i32_0 : i32, i32
  }
  func.func @transform_3(%arg0: i32) -> (i32, i32) {
    %c0_i32 = arith.constant 0 : i32
    %c0_i32_0 = arith.constant 0 : i32
    %c0_i32_1 = arith.constant 0 : i32
    return %c0_i32, %c0_i32_0 : i32, i32
  }
  func.func @transform_4(%arg0: i32) -> (i32, i32) {
    %c0_i32 = arith.constant 0 : i32
    %c0_i32_0 = arith.constant 0 : i32
    %c0_i32_1 = arith.constant 0 : i32
    return %c0_i32, %c0_i32_0 : i32, i32
  }
  func.func @transform_5(%arg0: i32) -> (i32, i32) {
    %c0_i32 = arith.constant 0 : i32
    %c0_i32_0 = arith.constant 0 : i32
    %c0_i32_1 = arith.constant 0 : i32
    return %c0_i32, %c0_i32_0 : i32, i32
  }
  func.func @transform_6(%arg0: i32) -> (i32, i32) {
    %c0_i32 = arith.constant 0 : i32
    %c0_i32_0 = arith.constant 0 : i32
    %c0_i32_1 = arith.constant 0 : i32
    return %c0_i32, %c0_i32_0 : i32, i32
  }
  func.func @transform_7(%arg0: i32) -> (i32, i32) {
    %c0_i32 = arith.constant 0 : i32
    %c0_i32_0 = arith.constant 0 : i32
    %c0_i32_1 = arith.constant 0 : i32
    return %c0_i32, %c0_i32_0 : i32, i32
  }
}

</mosaic_0001>

<sc_bundles>
// kernel: kernel.4.cloned.1.call-start
scs
__scs_entry_jumppad:
0x0: {  	(pc) =	sbr.rel $0x88, $3  }
0x1: {  	(tag) =	ssettag $0x0;
	lr =	simm.s32 $0x1  }
0x2: {  	[smem:$0x3F9A] =	sst lr;
	_ =	strace $0xD0000000  }
0x3: {  	_ = 	snop  }
0x4: {  	_ = 	snop  }
0x5: {  	_ = 	snop  }
0x6: {  	_ = 	snop  }
0x7: {  	_ = 	snop  }
__scs_overlays_trampoline_lowered:
0x8: {  	[smem:$0x3FA9] =	sst s0  }
0x9: {  	[smem:$0x3FAA] =	sst s1  }
0xa: {  	[smem:$0x3FAB] =	sst s2  }
0xb: {  	[smem:$0x3FAC] =	sst s3  }
0xc: {  	[smem:$0x3FAD] =	sst s4  }
0xd: {  	[smem:$0x3FAE] =	sst s5  }
0xe: {  	[smem:$0x3FAF] =	sst s6  }
0xf: {  	[smem:$0x3FB0] =	sst s7  }
0x10: {  	[smem:$0x3FB1] =	sst s8  }
0x11: {  	[smem:$0x3FB2] =	sst s9;
	s0 =	simm.s32 @!p0 $0x0  }
0x12: {  	s1 =	sld [smem:$0x3F98];
	s0 =	simm.s32 @p0 $0x1  }
0x13: {  	[smem:$0x3FB3] =	sst s0;
	s0 =	simm.s32 @!p1 $0x0  }
0x14: {  	s2 =	sld [smem:$0x3F97];
	s0 =	simm.s32 @p1 $0x1  }
0x15: {  	[smem:$0x3FB4] =	sst s0;
	s0 =	simm.s32 @!p2 $0x0  }
0x16: {  	s3 =	sld [smem:$0x3FDB];
	s0 =	simm.s32 @p2 $0x1  }
0x17: {  	s4 =	simm.s32 $0x1BF5;
	[smem:$0x3FB6] =	sst s0  }
0x18: {  	s0 =	sld [smem:$0x3F99];
	_ =	swait.ge [sflag:s4], $0x0  }
0x19: {  	s7 =	sld [smem:$0x3F9A]  }
0x1a: {  	s8 =	sadd.s32 $0xFFFFE003, lr  }
0x1b: {  	s9 =	sadd.s32 $0xFFFFFEF7, lr;
	s5 =	simm.s32 $0xFFFFFFFF;
	p2 =	slt.u32 s8, $0xFFFFF086  }
0x1c: {  	p1 =	slt.u32 s9, $0xF7A;
	s5 =	simm.s32 @!p2 $0x0  }
0x1d: {  	s5 =	simm.s32 @p1 $0x1;
	p0 =	seq.s32 s7, s2  }
0x1e: {  	s7 =	smul.u32 @!p0 $0xF7A, s2;
	p2 =	seq.s32 @!p0 s5, $0x0  }
0x1f: {  	s9 =	smul.u32 $0xF7A, s1;
	s8 =	simm.s32 @!p0 $0x1BF5;
	p2 =	por !p2, p0  }
0x20: {  	[sflag:s8] =	ssyncset.s32 @!p0 $0xFFFFF086;
	s6 =	sadd.s32 @!p0 s3, s7;
	s7 =	simm.s32 @!p0 $0x108  }
0x21: {  	s3 =	sadd.s32 s3, s9;
	s6 =	sadd.s32 @!p0 $0x88, s6;
	s7 =	simm.s32 @p2 $0x1082  }
0x22: {  	[simem:s7], [sflag:s8] =	dma.local @!p0 [hbm:s6], $0xF7A  }
0x23: {  	s9 =	sor.u32 $0xD0000000, s2;
	s6 =	simm.s32 $0x108;
	_ =	swait.ge @!p0 [sflag:s8], $0x0  }
0x24: {  	s3 =	sadd.s32 $0x88, s3;
	s6 =	simm.s32 @!p1 $0x1082;
	[sflag:s4] =	ssyncset.s32 $0xFFFFF086  }
0x25: {  	[simem:s6], [sflag:s4] =	dma.local [hbm:s3], $0xF7A  }
0x26: {  	[smem:$0x3F9A] =	sst s1;
	(tag) =	ssettag s2;
	_ =	strace s9  }
0x27: {  	s1 =	sld [smem:$0x3FAA]  }
0x28: {  	s2 =	sld [smem:$0x3FAB]  }
0x29: {  	s4 =	sld [smem:$0x3FAD]  }
0x2a: {  	p0 =	seq.s32 s5, $0x0;
	s5 =	sld [smem:$0x3FAE]  }
0x2b: {  	s6 =	sld [smem:$0x3FAF]  }
0x2c: {  	s7 =	sld [smem:$0x3FB0]  }
0x2d: {  	s3 =	simm.s32 $0x108;
	s8 =	sld [smem:$0x3FB1]  }
0x2e: {  	s3 =	simm.s32 @!p0 $0x1082;
	s9 =	sld [smem:$0x3FB2]  }
0x2f: {  	lr =	sadd.s32 s0, s3;
	s0 =	sld [smem:$0x3FA9]  }
0x30: {  	s3 =	sld [smem:$0x3FAC]  }
0x31: {  	[smem:$0x3FB5] =	sst s10  }
0x32: {  	s10 =	sld [smem:$0x3FB3];
	_ =	sdelay $0x3  }
0x33: {  	p0 =	seq.s32 s10, $0x1;
	s10 =	sld [smem:$0x3FB5];
	_ =	sdelay $0x3  }
0x34: {  	[smem:$0x3FB5] =	sst s10  }
0x35: {  	s10 =	sld [smem:$0x3FB4];
	_ =	sdelay $0x3  }
0x36: {  	p1 =	seq.s32 s10, $0x1;
	s10 =	sld [smem:$0x3FB5];
	_ =	sdelay $0x3  }
0x37: {  	[smem:$0x3FB5] =	sst s10  }
0x38: {  	s10 =	sld [smem:$0x3FB6]  }
0x39: {  	_ = 	snop;
	(pc) =	sbr.ind lr, $3  }
0x3a: {  	_ = 	snop  }
0x3b: {  	_ = 	snop  }
0x3c: {  	p2 =	seq.s32 s10, $0x1;
	s10 =	sld [smem:$0x3FB5]  }
0x3d: {  	_ =	shalt  }
0x3e: {  	_ =	shalt  }
0x3f: {  	_ =	shalt  }
0x40: {  	_ =	shalt  }
0x41: {  	_ =	shalt  }
0x42: {  	_ =	shalt  }
0x43: {  	_ =	shalt  }
0x44: {  	_ =	shalt  }
0x45: {  	_ =	shalt  }
0x46: {  	_ =	shalt  }
0x47: {  	_ =	shalt  }
0x48: {  	_ =	shalt  }
0x49: {  	_ =	shalt  }
0x4a: {  	_ =	shalt  }
0x4b: {  	_ =	shalt  }
0x4c: {  	_ =	shalt  }
0x4d: {  	_ =	shalt  }
0x4e: {  	_ =	shalt  }
0x4f: {  	_ =	shalt  }
0x50: {  	_ =	shalt  }
0x51: {  	_ =	shalt  }
0x52: {  	_ =	shalt  }
0x53: {  	_ =	shalt  }
0x54: {  	_ =	shalt  }
0x55: {  	_ =	shalt  }
0x56: {  	_ =	shalt  }
0x57: {  	_ =	shalt  }
0x58: {  	_ =	shalt  }
0x59: {  	_ =	shalt  }
0x5a: {  	_ =	shalt  }
0x5b: {  	_ =	shalt  }
0x5c: {  	_ =	shalt  }
0x5d: {  	_ =	shalt  }
0x5e: {  	_ =	shalt  }
0x5f: {  	_ =	shalt  }
0x60: {  	_ =	shalt  }
0x61: {  	_ =	shalt  }
0x62: {  	_ =	shalt  }
0x63: {  	_ =	shalt  }
0x64: {  	_ =	shalt  }
0x65: {  	_ =	shalt  }
0x66: {  	_ =	shalt  }
0x67: {  	_ =	shalt  }
0x68: {  	_ =	shalt  }
0x69: {  	_ =	shalt  }
0x6a: {  	_ =	shalt  }
0x6b: {  	_ =	shalt  }
0x6c: {  	_ =	shalt  }
0x6d: {  	_ =	shalt  }
0x6e: {  	_ =	shalt  }
0x6f: {  	_ =	shalt  }
0x70: {  	_ =	shalt  }
0x71: {  	_ =	shalt  }
0x72: {  	_ =	shalt  }
0x73: {  	_ =	shalt  }
0x74: {  	_ =	shalt  }
0x75: {  	_ =	shalt  }
0x76: {  	_ =	shalt  }
0x77: {  	_ =	shalt  }
0x78: {  	_ =	shalt  }
0x79: {  	_ =	shalt  }
0x7a: {  	_ =	shalt  }
0x7b: {  	_ =	shalt  }
0x7c: {  	_ =	shalt  }
0x7d: {  	_ =	shalt  }
0x7e: {  	_ =	shalt  }
0x7f: {  	_ =	shalt  }
0x80: {  	_ =	shalt  }
0x81: {  	_ =	shalt  }
0x82: {  	_ =	shalt  }
0x83: {  	_ =	shalt  }
0x84: {  	_ =	shalt  }
0x85: {  	_ =	shalt  }
0x86: {  	_ =	shalt  }
0x87: {  	_ =	shalt  }
.Lfunc_end0:
.L_simem_size_0:
called_computation_lowered:
.L_overlay_start_0:
0x88: {  	s2 =	sld [smem:$0x3FD9]  }
0x89: {  	s3 =	sld [smem:$0x3FFE];
	_ =	sdelay $0x1  }
0x8a: {  	s1 =	srdreg.scid  }
0x8b: {  	s0 =	sand.u32 $0x1, s1  }
0x8c: {  	s17 =	sshll.u32 s0, $0xA;
	s2 =	sadd.s32 s3, s2  }
0x8d: {  	s2 =	sadd.s32 s2, s17  }
0x8e: {  	[smem:$0x3FC1] =	sst s2  }
0x8f: {  	_ = 	snop  }
0x90: {  	s2 =	sld [smem:$0x3FC8]  }
0x91: {  	s18 =	sld [smem:$0x3FC7]  }
0x92: {  	s4 =	sld [smem:$0x3FC6]  }
0x93: {  	s5 =	sld [smem:$0x3FC4];
	(tm) =	ssettm $0x1  }
0x94: {  	s6 =	sld [smem:$0x3FFB];
	_ =	sdelay $0x3  }
0x95: {  	_ =	strace s6  }
0x96: {  	s6 =	sld [smem:$0x3FFC];
	_ =	sdelay $0x3  }
0x97: {  	_ =	strace s6  }
0x98: {  	s6 =	sld [smem:$0x3FFD];
	_ =	sdelay $0x3  }
0x99: {  	_ =	strace s6  }
0x9a: {  	_ =	strace $0x8FFFFFFF  }
0x9b: {  	s19 =	sld [smem:$0x3FDB];
	_ =	sdelay $0x1  }
0x9c: {  	s7 =	simm.s32 $_scs_section_size  }
0x9d: {  	s8 =	simm.s32 $_size__tile_overlayer_lowered;
	s9 =	simm.s32 $_tile_overlayer_lowered  }
0x9e: {  	s22 =	simm.s32 $0x1BFF;
	s21 =	sshll.u32 s9, $0x1;
	s6 =	sadd.s32 s7, s19  }
0x9f: {  	s10 =	simm.s32 $0x0;
	s20 =	sshll.u32 s8, $0x1;
	s8 =	sadd.s32 s21, s6  }
0xa0: {  	[timem:s10], [sflag:s22] =	dma.local [hbm:s8], s20  }
0xa1: {  	_ =	swait.ge [sflag:s22], s20  }
0xa2: {  	s7 =	ssub.s32 $0x0, s20;
	[sflag:s22] =	ssyncset.done $0x0  }
0xa3: {  	[sflag:s22] =	ssyncadd.s32 s7;
	_ =	sdelay $0x1  }
0xa4: {  	s23 =	simm.s32 $0x1B8B  }
0xa5: {  	_ =	swait.ge [sflag:s23], $0x1  }
0xa6: {  	[sflag:s23] =	ssyncset.done $0x0  }
0xa7: {  	s25 =	simm.s32 $0x1B8E;
	s24 =	sld [smem:$0x3FFE];
	[sflag:s23] =	ssyncadd.s32 $0xFFFFFFFF  }
0xa8: {  	s26 =	simm.s32 $execute0_lowered;
	[smem:$0x3FD2] =	sst s25  }
0xa9: {  	s8 =	sshll.u32 s26, $0x1;
	_ =	strace $0x80000046;
	[dreg:$0x1] =	wrdreg $0xFFFFFFFF  }
0xaa: {  	s28 =	simm.s32 $_size_execute0_lowered;
	s6 =	sadd.s32 s6, s8;
	[dreg:$0x0] =	wrdreg $0x0  }
0xab: {  	s8 =	sshll.u32 s28, $0x1;
	[dreg:$0x2] =	wrdreg s6  }
0xac: {  	[dreg:$0x3] =	wrdreg s8  }
0xad: {  	[dreg:$0x4] =	wrdreg $0xC0  }
0xae: {  	_ =	task [dreg:s10], $0x5FFFF  }
0xaf: {  	[dreg:$0x1] =	wrdreg $0xFFFFFFFF  }
0xb0: {  	[dreg:$0x0] =	wrdreg $0x60  }
0xb1: {  	[dreg:$0x2] =	wrdreg s2  }
0xb2: {  	[dreg:$0x3] =	wrdreg s18  }
0xb3: {  	[dreg:$0x4] =	wrdreg s4  }
0xb4: {  	[dreg:$0x5] =	wrdreg s5  }
0xb5: {  	[dreg:$0x6] =	wrdreg s24  }
0xb6: {  	[dreg:$0x7] =	wrdreg $0x9  }
0xb7: {  	_ =	task.clear_ibuf [dreg:s10], $0x8FFFF;
	_ =	strace $0x90000046  }
0xb8: {  	s29 =	simm.s32 $0x9;
	_ =	strace $0x80000048  }
0xb9: {  	_ =	swait.ge [sflag:s29], $0x1  }
0xba: {  	[sflag:s29] =	ssyncadd.s32 $0xFFFFFFFF  }
0xbb: {  	_ =	strace $0x90000048  }
0xbc: {  	_ =	sfence  }
0xbd: {  	s30 =	sld [smem:$0x0];
	_ =	sdelay $0x2  }
0xbe: {  	s31 =	sshll.u32 s1, $0xD;
	s1 =	sshrl.u32 s1, $0x2  }
0xbf: {  	s3 =	sand.u32 $0x4000, s31;
	s1 =	sadd.s32 s1, s30  }
0xc0: {  	s0 =	sor.u32 s3, s0;
	s1 =	sshll.u32 s1, $0x11  }
0xc1: {  	s0 =	sor.u32 s1, s0  }
0xc2: {  	s0 =	sadd.s32 $0x8F2B, s0  }
0xc3: {  	[sflag:s0] =	ssyncadd.remote.s32 $0x1  }
0xc4: {  	_ =	sfence.sel $0xFFFF  }
0xc5: {  	[dreg:$0x0] =	wrdreg $0xFFFFFFFF;
	(pc) =	sbr.abs _section_cstart, $3  }
0xc6: {  	[dreg:$0x1] =	wrdreg $0xFFFFFFFF  }
0xc7: {  	_ =	task.clear_ibuf [dreg:s10], $0x2FFFF;
	_ =	strace $0x9FFFFFFF  }
0xc8: {  	(tm) =	ssettm $0x7FFFFFFF  }
0xc9: {  	_ =	shalt  }
tec
execute0_lowered:
.L_overlay_start_1:
0x0: {  	(tag) =	ssettag $0x1  }
0x1: {  	s6 =	stileid.u32  }
0x2: {  	s0 =	rddreg [dreg:$0x0];
	p0 =	sgt.u32 s6, $0x7  }
.Ltmp0:
0x3: {  	s2 =	rddreg [dreg:$0x1];
	(pc) =	sbr.rel @p0 .LBB2_7-.Ltmp0, $4  }
0x4: {  	s1 =	rddreg [dreg:$0x2]  }
0x5: {  	s3 =	rddreg [dreg:$0x3];
	s4 =	simm.s32 $0x0  }
0x6: {  	[smem:$0x7FF] =	sst s4  }
0x7: {  	s5 =	rddreg [dreg:$0x4];
	_ =	strace $0x80000047  }
0x8: {  	s6 =	srdreg.scid;
	s8 =	stileid.u32;
	s10 =	simm.s32 $0x80  }
0x9: {  	s11 =	simm.s32 $0x400;
	s12 =	simm.s32 $0x3;
	s14 =	simm.s32 $0x100  }
0xa: {  	s19 =	simm.s32 $0x200;
	s22 =	simm.s32 $0x300;
	s28 =	simm.s32 $0x500  }
0xb: {  	s31 =	simm.s32 $0x600;
	s13 =	simm.s32 $0x700;
	s15 =	simm.s32 $0x1700  }
0xc: {  	s16 =	simm.s32 $0x1F00;
	s17 =	simm.s32 $0x2000;
	s18 =	simm.s32 $0x1  }
0xd: {  	s20 =	simm.s32 $0x2;
	s6 =	sand.u32 $0x1, s6;
	s7 =	sshll.u32 s8, $0x5  }
0xe: {  	s8 =	sshll.u32 s8, $0x9;
	s9 =	sshll.u32 s6, $0x4;
	s7 =	sand.u32 $0x60, s7  }
0xf: {  	s21 =	simm.s32 $0x1A700;
	s8 =	sand.u32 $0x800, s8;
	s7 =	sor.u32 s9, s7  }
0x10: {  	s23 =	simm.s32 $0x1AF00;
	s29 =	ssub.s32 $0x2, s6;
	s8 =	sor.u32 s8, s7  }
0x11: {  	s30 =	sshrl.u32 s29, $0x1;
	s7 =	sadd.s32 s8, s5;
	s5 =	sadd.s32 s2, s8  }
0x12: {  	s2 =	ssub.s32 s29, s30;
	s8 =	sadd.s32 s0, s8;
	s6 =	sadd.s32 $0x1600, s7  }
0x13: {  	v0 =	vlaneseq.u32;
	s7 =	sadd.s32 $0x2600, s7;
	s9 =	smax.u32 s2, $0x1;
	s2 =	simm.s32 $0x1E00  }
.LBB2_2:
0x14: {  	s24 =	simm.s32 $0x0  }
0x15: {  	[tilespmem:s24], [sflag:$0x3] =	stream.strided.gather [hbm4b:s8+s10], $0x800, s11, s10, $0x38;
	[tilespmem:$0x1B700] =	vst v63  }
0x16: {  	_ =	swait.ge [sflag:s12], $0x800  }
0x17: {  	[sflag:s12] =	ssyncset.done $0x0  }
0x18: {  	s0 =	simm.s32 $0x800;
	[sflag:s12] =	ssyncadd.s32 $0xFFFFF800  }
0x19: {  	[tilespmem:s0], [sflag:$0x3] =	stream.strided.gather [hbm4b:s5+s10], $0x800, s11, s10, $0x38;
	[tilespmem:$0x1B700] =	vst v63  }
0x1a: {  	_ =	swait.ge [sflag:s12], $0x800  }
0x1b: {  	[sflag:s12] =	ssyncset.done $0x0  }
0x1c: {  	s30 =	simm.s32 $0x1000;
	[sflag:s12] =	ssyncadd.s32 $0xFFFFF800  }
0x1d: {  	[tilespmem:s30], [sflag:$0x1] =	stream.indirect.gather [hbm4b:s1+s14], $0x1, s24, s14, $0xb8;
	[tilespmem:$0x1B700] =	vst v63  }
0x1e: {  	s25 =	simm.s32 $0x1800  }
0x1f: {  	[tilespmem:s25], [sflag:$0x2] =	stream.indirect.gather [hbm4b:s3+s14], $0x1, s24, s14, $0xb8;
	[tilespmem:$0x1B700] =	vst v63  }
0x20: {  	s26 =	simm.s32 $0x1100  }
0x21: {  	[tilespmem:s26], [sflag:$0x1] =	stream.indirect.gather [hbm4b:s1+s14], $0x1, s14, s14, $0xb8;
	[tilespmem:$0x1B700] =	vst v63  }
0x22: {  	s30 =	simm.s32 $0x1900  }
0x23: {  	[tilespmem:s30], [sflag:$0x2] =	stream.indirect.gather [hbm4b:s3+s14], $0x1, s14, s14, $0xb8;
	[tilespmem:$0x1B700] =	vst v63  }
0x24: {  	s25 =	simm.s32 $0x1200  }
0x25: {  	[tilespmem:s25], [sflag:$0x1] =	stream.indirect.gather [hbm4b:s1+s14], $0x1, s19, s14, $0xb8;
	[tilespmem:$0x1B700] =	vst v63  }
0x26: {  	s26 =	simm.s32 $0x1A00  }
0x27: {  	[tilespmem:s26], [sflag:$0x2] =	stream.indirect.gather [hbm4b:s3+s14], $0x1, s19, s14, $0xb8;
	[tilespmem:$0x1B700] =	vst v63  }
0x28: {  	s30 =	simm.s32 $0x1300  }
0x29: {  	[tilespmem:s30], [sflag:$0x1] =	stream.indirect.gather [hbm4b:s1+s14], $0x1, s22, s14, $0xb8;
	[tilespmem:$0x1B700] =	vst v63  }
0x2a: {  	s25 =	simm.s32 $0x1B00  }
0x2b: {  	[tilespmem:s25], [sflag:$0x2] =	stream.indirect.gather [hbm4b:s3+s14], $0x1, s22, s14, $0xb8;
	[tilespmem:$0x1B700] =	vst v63  }
0x2c: {  	s26 =	simm.s32 $0x1400  }
0x2d: {  	[tilespmem:s26], [sflag:$0x1] =	stream.indirect.gather [hbm4b:s1+s14], $0x1, s11, s14, $0xb8;
	[tilespmem:$0x1B700] =	vst v63  }
0x2e: {  	s30 =	simm.s32 $0x1C00  }
0x2f: {  	[tilespmem:s30], [sflag:$0x2] =	stream.indirect.gather [hbm4b:s3+s14], $0x1, s11, s14, $0xb8;
	[tilespmem:$0x1B700] =	vst v63  }
0x30: {  	s25 =	simm.s32 $0x1500  }
0x31: {  	[tilespmem:s25], [sflag:$0x1] =	stream.indirect.gather [hbm4b:s1+s14], $0x1, s28, s14, $0xb8;
	[tilespmem:$0x1B700] =	vst v63  }
0x32: {  	s26 =	simm.s32 $0x1D00  }
0x33: {  	[tilespmem:s26], [sflag:$0x2] =	stream.indirect.gather [hbm4b:s3+s14], $0x1, s28, s14, $0xb8;
	[tilespmem:$0x1B700] =	vst v63  }
0x34: {  	s30 =	simm.s32 $0x1600  }
0x35: {  	[tilespmem:s30], [sflag:$0x1] =	stream.indirect.gather [hbm4b:s1+s14], $0x1, s31, s14, $0xb8;
	[tilespmem:$0x1B700] =	vst v63  }
0x36: {  	_ = 	snop  }
0x37: {  	[tilespmem:s2], [sflag:$0x2] =	stream.indirect.gather [hbm4b:s3+s14], $0x1, s31, s14, $0xb8;
	[tilespmem:$0x1B700] =	vst v63  }
0x38: {  	_ = 	snop  }
0x39: {  	[tilespmem:s15], [sflag:$0x1] =	stream.indirect.gather [hbm4b:s1+s14], $0x1, s13, s14, $0xb8;
	[tilespmem:$0x1B700] =	vst v63  }
0x3a: {  	s29 =	simm.s32 $0x820;
	s25 =	simm.s32 $0xFFFFFFFC;
	s26 =	simm.s32 $0x20  }
0x3b: {  	[tilespmem:s16], [sflag:$0x2] =	stream.indirect.gather [hbm4b:s3+s14], $0x1, s13, s14, $0xb8;
	[tilespmem:$0x1B700] =	vst v63  }
.LBB2_3:
0x3c: {  	v1 =	vld [tilespmem:s29+$0xFFFFFFE0]  }
0x3d: {  	v2 =	vld [tilespmem:s26+$0xFFFFFFE0];
	_ =	sdelay $0x3  }
0x3e: {  	vm0 =	vne.s32 v1, $0x0  }
0x3f: {  	(xrf1) =	vunique.msk.u32 vm0, v2;
	_ =	sdelay $0xd  }
0x40: {  	_, v1, vm1 =	vpop (xrf1)  }
0x41: {  	vm0 =	vmand vm0, vm1;
	_ =	sdelay $0x4  }
0x42: {  	v1 =	vor.u32 s24, v0  }
0x43: {  	[tilespmem:v2+s17+$0x0] =	vst.idx.msk vm0, v1  }
0x44: {  	v1 =	vld [tilespmem:s29+$0xFFFFFFF0]  }
0x45: {  	v2 =	vld [tilespmem:s26+$0xFFFFFFF0];
	_ =	sdelay $0x3  }
0x46: {  	vm10 =	vne.s32 v1, $0x0  }
0x47: {  	(xrf1) =	vunique.msk.u32 vm10, v2;
	_ =	sdelay $0xd  }
0x48: {  	_, v1, vm11 =	vpop (xrf1)  }
0x49: {  	vm0 =	vmand vm10, vm11;
	_ =	sdelay $0x3  }
0x4a: {  	s30 =	sadd.s32 $0x10, s24  }
0x4b: {  	v1 =	vor.u32 s30, v0  }
0x4c: {  	[tilespmem:v2+s17+$0x0] =	vst.idx.msk vm0, v1  }
0x4d: {  	v1 =	vld [tilespmem:s29+$0x0]  }
0x4e: {  	v2 =	vld [tilespmem:s26+$0x0];
	_ =	sdelay $0x3  }
0x4f: {  	vm12 =	vne.s32 v1, $0x0  }
0x50: {  	(xrf1) =	vunique.msk.u32 vm12, v2;
	_ =	sdelay $0xd  }
0x51: {  	_, v1, vm13 =	vpop (xrf1)  }
0x52: {  	vm0 =	vmand vm12, vm13;
	_ =	sdelay $0x3  }
0x53: {  	s0 =	sadd.s32 $0x20, s24  }
0x54: {  	v1 =	vor.u32 s0, v0  }
0x55: {  	[tilespmem:v2+s17+$0x0] =	vst.idx.msk vm0, v1  }
0x56: {  	v1 =	vld [tilespmem:s29+$0x10]  }
0x57: {  	v2 =	vld [tilespmem:s26+$0x10];
	_ =	sdelay $0x3  }
0x58: {  	vm14 =	vne.s32 v1, $0x0  }
0x59: {  	(xrf1) =	vunique.msk.u32 vm14, v2;
	_ =	sdelay $0xd  }
0x5a: {  	_, v1, vm15 =	vpop (xrf1)  }
0x5b: {  	s25 =	sadd.s32 $0x4, s25;
	vm0 =	vmand vm14, vm15  }
0x5c: {  	p0 =	slt.u32 s25, $0x7C  }
.Ltmp1:
0x5d: {  	_ = 	snop;
	(pc) =	sbr.rel @p0 .LBB2_3-.Ltmp1, $4  }
0x5e: {  	_ = 	snop  }
0x5f: {  	s0 =	sadd.s32 $0x30, s24  }
0x60: {  	v1 =	vor.u32 s0, v0  }
0x61: {  	s24 =	sadd.s32 $0x40, s24;
	s26 =	sadd.s32 $0x40, s26;
	s29 =	sadd.s32 $0x40, s29;
	[tilespmem:v2+s17+$0x0] =	vst.idx.msk vm0, v1  }
0x62: {  	_ =	swait.ge [sflag:s18], $0x100  }
0x63: {  	[sflag:s18] =	ssyncset.done $0x0  }
0x64: {  	[sflag:s18] =	ssyncadd.s32 $0xFFFFFF00  }
0x65: {  	_ =	swait.ge [sflag:s20], $0x100  }
0x66: {  	[sflag:s20] =	ssyncset.done $0x0  }
0x67: {  	[sflag:s20] =	ssyncadd.s32 $0xFFFFFF00  }
0x68: {  	_ =	swait.ge [sflag:s18], $0x100  }
0x69: {  	[sflag:s18] =	ssyncset.done $0x0  }
0x6a: {  	[sflag:s18] =	ssyncadd.s32 $0xFFFFFF00  }
0x6b: {  	_ =	swait.ge [sflag:s20], $0x100  }
0x6c: {  	[sflag:s20] =	ssyncset.done $0x0  }
0x6d: {  	[sflag:s20] =	ssyncadd.s32 $0xFFFFFF00  }
0x6e: {  	_ =	swait.ge [sflag:s18], $0x100  }
0x6f: {  	[sflag:s18] =	ssyncset.done $0x0  }
0x70: {  	[sflag:s18] =	ssyncadd.s32 $0xFFFFFF00  }
0x71: {  	_ =	swait.ge [sflag:s20], $0x100  }
0x72: {  	[sflag:s20] =	ssyncset.done $0x0  }
0x73: {  	[sflag:s20] =	ssyncadd.s32 $0xFFFFFF00  }
0x74: {  	_ =	swait.ge [sflag:s18], $0x100  }
0x75: {  	[sflag:s18] =	ssyncset.done $0x0  }
0x76: {  	[sflag:s18] =	ssyncadd.s32 $0xFFFFFF00  }
0x77: {  	_ =	swait.ge [sflag:s20], $0x100  }
0x78: {  	[sflag:s20] =	ssyncset.done $0x0  }
0x79: {  	[sflag:s20] =	ssyncadd.s32 $0xFFFFFF00  }
0x7a: {  	_ =	swait.ge [sflag:s18], $0x100  }
0x7b: {  	[sflag:s18] =	ssyncset.done $0x0  }
0x7c: {  	[sflag:s18] =	ssyncadd.s32 $0xFFFFFF00  }
0x7d: {  	_ =	swait.ge [sflag:s20], $0x100  }
0x7e: {  	[sflag:s20] =	ssyncset.done $0x0  }
0x7f: {  	[sflag:s20] =	ssyncadd.s32 $0xFFFFFF00  }
0x80: {  	_ =	swait.ge [sflag:s18], $0x100  }
0x81: {  	[sflag:s18] =	ssyncset.done $0x0  }
0x82: {  	[sflag:s18] =	ssyncadd.s32 $0xFFFFFF00  }
0x83: {  	_ =	swait.ge [sflag:s20], $0x100  }
0x84: {  	[sflag:s20] =	ssyncset.done $0x0  }
0x85: {  	[sflag:s20] =	ssyncadd.s32 $0xFFFFFF00  }
0x86: {  	_ =	swait.ge [sflag:s18], $0x100  }
0x87: {  	[sflag:s18] =	ssyncset.done $0x0  }
0x88: {  	[sflag:s18] =	ssyncadd.s32 $0xFFFFFF00  }
0x89: {  	_ =	swait.ge [sflag:s20], $0x100  }
0x8a: {  	[sflag:s20] =	ssyncset.done $0x0  }
0x8b: {  	[sflag:s20] =	ssyncadd.s32 $0xFFFFFF00  }
0x8c: {  	_ =	swait.ge [sflag:s18], $0x100  }
0x8d: {  	[sflag:s18] =	ssyncset.done $0x0  }
0x8e: {  	[sflag:s18] =	ssyncadd.s32 $0xFFFFFF00  }
0x8f: {  	_ =	swait.ge [sflag:s20], $0x100  }
0x90: {  	[sflag:s20] =	ssyncset.done $0x0  }
0x91: {  	s24 =	simm.s32 $0x0;
	[sflag:s20] =	ssyncadd.s32 $0xFFFFFF00  }
0x92: {  	v1 =	vld [tilespmem:s24+$0x0];
	_ =	sdelay $0x6  }
0x93: {  	v2 =	vld [tilespmem:s24+$0x800]  }
0x94: {  	v1 =	vld.idx.msk [tilespmem:v1+s17+$0x0], $0xffff  }
0x95: {  	v3 =	vld [tilespmem:s24+$0x10]  }
0x96: {  	v4 =	vld [tilespmem:s24+$0x1000]  }
0x97: {  	s25 =	simm.s32 $0x0;
	v5 =	vld [tilespmem:s24+$0x1800]  }
0x98: {  	v6 =	vor.u32 s25, v0  }
0x99: {  	vm0 =	vne.s32 v2, $0x0;
	vm1 =	veq.s32 v1, v6  }
0x9a: {  	vm0 =	vmand vm0, vm1  }
0x9b: {  	v2 =	vnsel vm0, $0x0, v4  }
0x9c: {  	v4 =	vnsel vm0, $0x1E, v5;
	[tilespmem:s24+$0x1A700] =	vst v2  }
0x9d: {  	v7 =	vld [tilespmem:s24+$0x810];
	[tilespmem:s24+$0x1AF00] =	vst v4  }
0x9e: {  	v2 =	vld.idx.msk [tilespmem:v3+s17+$0x0], $0xffff  }
0x9f: {  	v4 =	vld [tilespmem:s24+$0x20]  }
0xa0: {  	v3 =	vld [tilespmem:s24+$0x1010]  }
0xa1: {  	s26 =	simm.s32 $0x10;
	v5 =	vld [tilespmem:s24+$0x1810]  }
0xa2: {  	v6 =	vor.u32 s26, v0  }
0xa3: {  	vm0 =	vne.s32 v7, $0x0;
	vm1 =	veq.s32 v2, v6  }
0xa4: {  	vm0 =	vmand vm0, vm1  }
0xa5: {  	v2 =	vnsel vm0, $0x0, v3  }
0xa6: {  	[tilespmem:s24+$0x1A710] =	vst v2;
	v2 =	vnsel vm0, $0x1E, v5  }
0xa7: {  	v1 =	vld [tilespmem:s24+$0x820];
	[tilespmem:s24+$0x1AF10] =	vst v2  }
0xa8: {  	v2 =	vld.idx.msk [tilespmem:v4+s17+$0x0], $0xffff  }
0xa9: {  	v5 =	vld [tilespmem:s24+$0x30]  }
0xaa: {  	v4 =	vld [tilespmem:s24+$0x1020]  }
0xab: {  	s0 =	simm.s32 $0x20;
	v3 =	vld [tilespmem:s24+$0x1820]  }
0xac: {  	v6 =	vor.u32 s0, v0  }
0xad: {  	vm0 =	vne.s32 v1, $0x0;
	vm1 =	veq.s32 v2, v6  }
0xae: {  	vm0 =	vmand vm0, vm1  }
0xaf: {  	v1 =	vnsel vm0, $0x0, v4  }
0xb0: {  	v8 =	vld [tilespmem:s24+$0x830];
	[tilespmem:s24+$0x1A720] =	vst v1;
	v1 =	vnsel vm0, $0x1E, v3  }
0xb1: {  	v4 =	vld [tilespmem:s24+$0x1030];
	[tilespmem:s24+$0x1AF20] =	vst v1  }
0xb2: {  	v6 =	vld.idx.msk [tilespmem:v5+s17+$0x0], $0xffff  }
0xb3: {  	s30 =	simm.s32 $0x40;
	v3 =	vld [tilespmem:s24+$0x1830]  }
0xb4: {  	v5 =	vld [tilespmem:s30+$0x0]  }
0xb5: {  	s0 =	simm.s32 $0x30;
	v2 =	vld [tilespmem:s30+$0x800]  }
0xb6: {  	s29 =	simm.s32 $0x100;
	s26 =	simm.s32 $0x4;
	v7 =	vor.u32 s0, v0;
	vm0 =	vne.s32 v8, $0x0;
	v1 =	vld [tilespmem:s30+$0x810]  }
.LBB2_5:
0xb7: {  	s26 =	sadd.s32 $0x4, s26;
	v8 =	vld [tilespmem:s30+$0x820];
	vm1 =	veq.s32 v6, v7;
	s25 =	sadd.s32 $0x40, s25  }
0xb8: {  	p0 =	slt.u32 s26, $0x7C;
	v9 =	vld [tilespmem:s30+$0x830];
	vm0 =	vmand vm0, vm1  }
0xb9: {  	v4 =	vnsel vm0, $0x0, v4;
	v3 =	vnsel vm0, $0x1E, v3  }
0xba: {  	[tilespmem:s24+$0x1A730] =	vst v4  }
0xbb: {  	[tilespmem:s24+$0x1AF30] =	vst v3;
	s24 =	smov.u32 s30  }
0xbc: {  	v3 =	vld.idx.msk [tilespmem:v5+s17+$0x0], $0xffff  }
0xbd: {  	v4 =	vld [tilespmem:s24+$0x1800]  }
0xbe: {  	v5 =	vld [tilespmem:s24+$0x10]  }
0xbf: {  	v6 =	vld [tilespmem:s24+$0x1000];
	_ =	sdelay $0x1  }
0xc0: {  	v7 =	vor.u32 s25, v0  }
0xc1: {  	vm0 =	vne.s32 v2, $0x0;
	vm1 =	veq.s32 v3, v7  }
0xc2: {  	vm0 =	vmand vm0, vm1  }
0xc3: {  	v3 =	vnsel vm0, $0x1E, v4;
	v2 =	vnsel vm0, $0x0, v6  }
0xc4: {  	[tilespmem:s24+$0x1A700] =	vst v2  }
0xc5: {  	[tilespmem:s24+$0x1AF00] =	vst v3;
	v2 =	vld [tilespmem:s24+$0x1810]  }
0xc6: {  	v3 =	vld.idx.msk [tilespmem:v5+s17+$0x0], $0xffff  }
0xc7: {  	v4 =	vld [tilespmem:s24+$0x20]  }
0xc8: {  	v5 =	vld [tilespmem:s24+$0x1010]  }
0xc9: {  	s0 =	sadd.s32 $0x10, s25  }
0xca: {  	v6 =	vor.u32 s0, v0  }
0xcb: {  	vm0 =	vne.s32 v1, $0x0  }
0xcc: {  	vm1 =	veq.s32 v3, v6  }
0xcd: {  	vm0 =	vmand vm0, vm1  }
0xce: {  	v1 =	vnsel vm0, $0x0, v5;
	v2 =	vnsel vm0, $0x1E, v2  }
0xcf: {  	[tilespmem:s24+$0x1A710] =	vst v1;
	v1 =	vld [tilespmem:s24+$0x1820]  }
0xd0: {  	[tilespmem:s24+$0x1AF10] =	vst v2;
	v2 =	vld [tilespmem:s24+$0x30]  }
0xd1: {  	v3 =	vld.idx.msk [tilespmem:v4+s17+$0x0], $0xffff  }
0xd2: {  	v4 =	vld [tilespmem:s24+$0x1020]  }
0xd3: {  	s0 =	sadd.s32 $0x20, s25  }
0xd4: {  	v5 =	vor.u32 s0, v0  }
0xd5: {  	vm0 =	vne.s32 v8, $0x0;
	_ =	sdelay $0x1  }
0xd6: {  	vm1 =	veq.s32 v3, v5  }
0xd7: {  	vm0 =	vmand vm0, vm1  }
0xd8: {  	v3 =	vnsel vm0, $0x0, v4;
	v1 =	vnsel vm0, $0x1E, v1  }
0xd9: {  	[tilespmem:s24+$0x1A720] =	vst v3;
	v3 =	vld [tilespmem:s24+$0x1830]  }
0xda: {  	[tilespmem:s24+$0x1AF20] =	vst v1;
	v4 =	vld [tilespmem:s24+$0x1030]  }
0xdb: {  	v6 =	vld.idx.msk [tilespmem:v2+s17+$0x0], $0xffff  }
.Ltmp2:
0xdc: {  	s29 =	sadd.s32 $0x100, s29;
	s0 =	sadd.s32 $0x30, s25;
	(pc) =	sbr.rel @p0 .LBB2_5-.Ltmp2, $4  }
0xdd: {  	s30 =	sshra.s32 s29, $0x2;
	v7 =	vor.u32 s0, v0  }
0xde: {  	vm0 =	vne.s32 v9, $0x0;
	v5 =	vld [tilespmem:s30+$0x0]  }
0xdf: {  	v2 =	vld [tilespmem:s30+$0x800]  }
0xe0: {  	v1 =	vld [tilespmem:s30+$0x810]  }
0xe1: {  	_ = 	snop  }
0xe2: {  	vm1 =	veq.s32 v6, v7  }
0xe3: {  	vm0 =	vmand vm0, vm1  }
0xe4: {  	v55 =	vld [tilespmem:s30+$0x820];
	v4 =	vnsel vm0, $0x0, v4  }
0xe5: {  	v56 =	vld [tilespmem:s30+$0x830];
	v3 =	vnsel vm0, $0x1E, v3;
	[tilespmem:s24+$0x1A730] =	vst v4  }
0xe6: {  	[tilespmem:s24+$0x1AF30] =	vst v3  }
0xe7: {  	v3 =	vld.idx.msk [tilespmem:v5+s17+$0x0], $0xffff  }
0xe8: {  	v4 =	vld [tilespmem:s30+$0x10]  }
0xe9: {  	v57 =	vld [tilespmem:s30+$0x1000]  }
0xea: {  	s0 =	sadd.s32 $0x40, s25;
	v8 =	vld [tilespmem:s30+$0x1800]  }
0xeb: {  	v9 =	vor.u32 s0, v0  }
0xec: {  	vm8 =	vne.s32 v2, $0x0;
	vm9 =	veq.s32 v3, v9  }
0xed: {  	vm0 =	vmand vm8, vm9  }
0xee: {  	v2 =	vnsel vm0, $0x0, v57  }
0xef: {  	v3 =	vnsel vm0, $0x1E, v8;
	[tilespmem:s30+$0x1A700] =	vst v2  }
0xf0: {  	[tilespmem:s30+$0x1AF00] =	vst v3  }
0xf1: {  	v2 =	vld.idx.msk [tilespmem:v4+s17+$0x0], $0xffff  }
0xf2: {  	v58 =	vld [tilespmem:s30+$0x20]  }
0xf3: {  	v3 =	vld [tilespmem:s30+$0x1010]  }
0xf4: {  	s26 =	sadd.s32 $0x10, s0;
	v59 =	vld [tilespmem:s30+$0x1810]  }
0xf5: {  	v60 =	vor.u32 s26, v0  }
0xf6: {  	vm10 =	vne.s32 v1, $0x0;
	vm11 =	veq.s32 v2, v60  }
0xf7: {  	vm0 =	vmand vm10, vm11  }
0xf8: {  	v1 =	vnsel vm0, $0x0, v3  }
0xf9: {  	[tilespmem:s30+$0x1A710] =	vst v1;
	v1 =	vnsel vm0, $0x1E, v59  }
0xfa: {  	[tilespmem:s30+$0x1AF10] =	vst v1  }
0xfb: {  	v1 =	vld.idx.msk [tilespmem:v58+s17+$0x0], $0xffff  }
0xfc: {  	v61 =	vld [tilespmem:s30+$0x30]  }
0xfd: {  	v3 =	vld [tilespmem:s30+$0x1020]  }
0xfe: {  	s29 =	sadd.s32 $0x20, s0;
	v2 =	vld [tilespmem:s30+$0x1820]  }
0xff: {  	v62 =	vor.u32 s29, v0  }
0x100: {  	vm12 =	vne.s32 v55, $0x0;
	vm13 =	veq.s32 v1, v62  }
0x101: {  	vm0 =	vmand vm12, vm13  }
0x102: {  	v1 =	vnsel vm0, $0x0, v3  }
0x103: {  	[tilespmem:s30+$0x1A720] =	vst v1;
	v1 =	vnsel vm0, $0x1E, v2  }
0x104: {  	[tilespmem:s30+$0x1AF20] =	vst v1  }
0x105: {  	v1 =	vld.idx.msk [tilespmem:v61+s17+$0x0], $0xffff;
	_ =	sdelay $0x1  }
0x106: {  	v3 =	vld [tilespmem:s30+$0x1030]  }
0x107: {  	s0 =	sadd.s32 $0x30, s0;
	v2 =	vld [tilespmem:s30+$0x1830]  }
0x108: {  	v63 =	vor.u32 s0, v0  }
0x109: {  	vm14 =	vne.s32 v56, $0x0;
	vm15 =	veq.s32 v1, v63  }
0x10a: {  	vm0 =	vmand vm14, vm15  }
0x10b: {  	v1 =	vnsel vm0, $0x0, v3  }
0x10c: {  	v2 =	vnsel vm0, $0x1E, v2;
	[tilespmem:s30+$0x1A730] =	vst v1  }
0x10d: {  	[tilespmem:s30+$0x1AF30] =	vst v2  }
0x10e: {  	[hbm4b:s6+s10] =	stream.strided.scatter [tilespmem:s21], [sflag:$0x3], $0x800, s11, s10, $0x38;
	[tilespmem:$0x1B700] =	vst v63  }
0x10f: {  	s4 =	sadd.s32 $0x1, s4;
	_ =	swait.ge [sflag:s12], $0x800  }
0x110: {  	p0 =	sne.s32 s4, s9;
	[sflag:s12] =	ssyncset.done $0x0  }
.Ltmp3:
0x111: {  	[sflag:s12] =	ssyncadd.s32 $0xFFFFF800;
	(pc) =	sbr.rel @p0 .LBB2_2-.Ltmp3, $4  }
0x112: {  	[hbm4b:s7+s10] =	stream.strided.scatter [tilespmem:s23], [sflag:$0x3], $0x800, s11, s10, $0x38;
	[tilespmem:$0x1B700] =	vst v63  }
0x113: {  	_ =	swait.ge [sflag:s12], $0x800  }
0x114: {  	[sflag:s12] =	ssyncset.done $0x0  }
0x115: {  	[sflag:s12] =	ssyncadd.s32 $0xFFFFF800  }
.LBB2_7:
0x116: {  	_ =	sfence.sel $0x180000  }
0x117: {  	[bflag:$0x0] =	sbarrier.arrive $0xFFFF  }
0x118: {  	_ =	strace $0x90000047  }
0x119: {  	s0 =	stileid.u32;
	[bflag:$0x2] =	sbarrier.arrive $0xFFFF  }
0x11a: {  	p0 =	sne.s32 s0, $0x0;
	s0 =	rddreg [dreg:$0x5]  }
0x11b: {  	s0 =	sadd.s32 @!p0 $0x100000, s0  }
0x11c: {  	[sflag:s0] =	ssyncadd.tile.s32 @!p0 $0x1;
	_ =	shalt  }
.Lfunc_end2:
_tile_overlayer_lowered:
.L_overlay_start_2:
0x11d: {  	(tag) =	ssettag $0x2  }
0x11e: {  	s0 =	rddreg [dreg:$0x0];
	s2 =	stileid.u32  }
0x11f: {  	s1 =	rddreg [dreg:$0x1];
	p0 =	sne.s32 s2, $0x0  }
0x120: {  	s3 =	rddreg [dreg:$0x2];
	[bflag:$0x3] =	sbarrier.arrive $0xFFFF;
	s2 =	simm.s32 @!p0 $0x1C03  }
0x121: {  	[timem:s3], [sflag:s2] =	dma.local @!p0 [hbm:s0], s1  }
0x122: {  	s0 =	simm.s32 @!p0 $0x3  }
0x123: {  	_ =	swait.ge @!p0 [sflag:s0], s1  }
0x124: {  	s1 =	ssub.s32 @!p0 $0x0, s1;
	[sflag:s0] =	ssyncset.done @!p0 $0x0  }
0x125: {  	[sflag:s0] =	ssyncadd.s32 @!p0 s1  }
0x126: {  	[bflag:$0x3] =	sbarrier.arrive $0xFFFF  }
0x127: {  	_ =	shalt  }

</sc_bundles>
